<compile_context>
chip_gen: v7x
topology: tpu7x:2x2x1
jax: 0.10.2.dev20260603
libtpu: 0.0.44.dev20260713+nightly
codegen_flags: <defaults>
</compile_context>

<pallas_src>
import functools

import jax
import jax.numpy as jnp
from jax import lax
from jax.experimental import pallas as pl
from jax.experimental.pallas import tpu as pltpu
from jax.experimental.pallas import tpu_sc as plsc

N = 10000
D = 128
H = 128
E = 320000

NC = 2
NS = 16
LW = 128
R = 80
E_PAD = NC * NS * R * LW
N_PAD = 10112
ROWS_PER_TILE = N_PAD // NS

@functools.cache
def _sc_mesh():
  return plsc.VectorSubcoreMesh(
      core_axis_name="c", subcore_axis_name="s", num_cores=NC, num_subcores=NS)



_BUF = 640


def _deg_body(dst_hbm, out_hbm, deg_s, idx_v, ones_v, buf_v):
  c = lax.axis_index("c")
  s = lax.axis_index("s")
  wid = c * NS + s
  w0 = s * ROWS_PER_TILE
  for k in range(LW // 16):
    ones_v[pl.ds(k * 16, 16)] = jnp.ones((16,), jnp.float32)
  for k in range(_BUF // 16):
    buf_v[pl.ds(k * 16, 16)] = jnp.zeros((16,), jnp.float32)
  pltpu.sync_copy(buf_v.at[pl.ds(0, ROWS_PER_TILE)],
                  deg_s.at[pl.ds(w0, ROWS_PER_TILE)])
  pltpu.sync_copy(dst_hbm.at[pl.ds(wid * R, R)], idx_v)
  plsc.subcore_barrier()

  @pl.loop(0, R)
  def _(j):
    pltpu.sync_copy(ones_v, deg_s.at[idx_v.at[j]], add=True)

  plsc.subcore_barrier()
  pltpu.sync_copy(deg_s.at[pl.ds(w0, ROWS_PER_TILE)],
                  buf_v.at[pl.ds(0, ROWS_PER_TILE)])
  pltpu.sync_copy(buf_v.at[pl.ds(0, ROWS_PER_TILE)],
                  out_hbm.at[pl.ds(c * N_PAD + w0, ROWS_PER_TILE)])


@functools.cache
def _deg_call():
  return pl.kernel(
      _deg_body,
      out_type=jax.ShapeDtypeStruct((NC * N_PAD,), jnp.float32),
      mesh=_sc_mesh(),
      scratch_types=[
          pltpu.VMEM_SHARED((N_PAD,), jnp.float32),
          pltpu.VMEM((R, LW), jnp.int32),
          pltpu.VMEM((LW,), jnp.float32),
          pltpu.VMEM((_BUF,), jnp.float32),
      ],
  )


HALF = R // 2


_GS = LW // 4


def _issue_gather(y_hbm, src_v, j, buf, s0, s1):
  for k, sem in ((0, s0), (1, s0), (2, s1), (3, s1)):
    pltpu.async_copy(y_hbm.at[src_v.at[j, pl.ds(k * _GS, _GS)]],
                     buf.at[pl.ds(k * _GS, _GS)], sem)


def _wait_gather(y_hbm, src_v, j, buf, s0, s1):
  for k, sem in ((0, s0), (1, s0), (2, s1), (3, s1)):
    pltpu.make_async_copy(y_hbm.at[src_v.at[j, pl.ds(k * _GS, _GS)]],
                          buf.at[pl.ds(k * _GS, _GS)], sem).wait()


def _gather_scatter_body(y_hbm, src_hbm, dst_hbm, zeros_hbm, out_hbm,
                         acc_s, src_v, dst_v, rows0, rows1,
                         sa0, sa1, sb0, sb1):
  c = lax.axis_index("c")
  s = lax.axis_index("s")
  wid = c * NS + s
  base = wid * R
  row0 = s * ROWS_PER_TILE
  pltpu.sync_copy(zeros_hbm.at[pl.ds(row0, ROWS_PER_TILE)],
                  acc_s.at[pl.ds(row0, ROWS_PER_TILE)])
  plsc.subcore_barrier()

  @pl.loop(0, 2)
  def _(h):
    hb = base + h * HALF
    pltpu.sync_copy(src_hbm.at[pl.ds(hb, HALF)], src_v)
    pltpu.sync_copy(dst_hbm.at[pl.ds(hb, HALF)], dst_v)

    _issue_gather(y_hbm, src_v, 0, rows0, sa0, sa1)

    @pl.loop(0, HALF, step=2)
    def _(j):
      _issue_gather(y_hbm, src_v, j + 1, rows1, sb0, sb1)
      _wait_gather(y_hbm, src_v, j, rows0, sa0, sa1)
      pltpu.sync_copy(rows0, acc_s.at[dst_v.at[j]], add=True)

      @pl.when(j + 2 < HALF)
      def _():
        _issue_gather(y_hbm, src_v, j + 2, rows0, sa0, sa1)

      _wait_gather(y_hbm, src_v, j + 1, rows1, sb0, sb1)
      pltpu.sync_copy(rows1, acc_s.at[dst_v.at[j + 1]], add=True)

  plsc.subcore_barrier()
  pltpu.sync_copy(acc_s.at[pl.ds(row0, ROWS_PER_TILE)],
                  out_hbm.at[c, pl.ds(row0, ROWS_PER_TILE)])


@functools.cache
def _gather_scatter_call():
  return pl.kernel(
      _gather_scatter_body,
      out_type=jax.ShapeDtypeStruct((NC, N_PAD, H), jnp.float32),
      mesh=_sc_mesh(),
      scratch_types=[
          pltpu.VMEM_SHARED((N_PAD, H), jnp.float32),
          pltpu.VMEM((HALF, LW), jnp.int32),
          pltpu.VMEM((HALF, LW), jnp.int32),
          pltpu.VMEM((LW, H), jnp.float32),
          pltpu.VMEM((LW, H), jnp.float32),
          pltpu.SemaphoreType.DMA,
          pltpu.SemaphoreType.DMA,
          pltpu.SemaphoreType.DMA,
          pltpu.SemaphoreType.DMA,
      ],
  )



BLK = 1000


def _dis_from_deg(degA, degB):
  return lax.rsqrt(degA + degB + 1.0)


def _y_body(x_ref, w_ref, degA_ref, degB_ref, y_ref):
  dis = _dis_from_deg(degA_ref[...], degB_ref[...])
  xw = lax.dot_general(x_ref[...], w_ref[...], (((1,), (1,)), ((), ())),
                       preferred_element_type=jnp.float32)
  y_ref[...] = xw * dis


def _fuse_body(accA_ref, accB_ref, y_ref, degA_ref, degB_ref, x_ref,
               wg_ref, bg_ref, wl_ref, bl_ref, bc_ref,
               out_ref, sum_ref, sumsq_ref):
  i = pl.program_id(0)
  dis = _dis_from_deg(degA_ref[...], degB_ref[...])
  y = y_ref[...]
  z = jnp.tanh((accA_ref[...] + accB_ref[...] + y) * dis + bc_ref[...])
  g = jax.nn.sigmoid(
      lax.dot_general(z, wg_ref[...], (((1,), (1,)), ((), ())),
                      preferred_element_type=jnp.float32) + bg_ref[...])
  xl = lax.dot_general(x_ref[...], wl_ref[...], (((1,), (1,)), ((), ())),
                       preferred_element_type=jnp.float32) + bl_ref[...]
  o = jnp.maximum((1.0 - g) * xl + g * z, 0.0)
  out_ref[...] = o
  ps = jnp.sum(o.reshape(BLK // 8, 8, H), axis=0)
  pq = jnp.sum((o * o).reshape(BLK // 8, 8, H), axis=0)

  @pl.when(i == 0)
  def _():
    sum_ref[...] = jnp.zeros_like(sum_ref)
    sumsq_ref[...] = jnp.zeros_like(sumsq_ref)

  sum_ref[...] += ps
  sumsq_ref[...] += pq


def _bn_body(out_pre_ref, sum_ref, sumsq_ref, gamma_ref, beta_ref, out_ref):
  mean = jnp.sum(sum_ref[...], axis=0) * (1.0 / N)
  ex2 = jnp.sum(sumsq_ref[...], axis=0) * (1.0 / N)
  var = ex2 - mean * mean
  scale = lax.rsqrt(var + 1e-5) * gamma_ref[0]
  shift = beta_ref[0] - mean * scale
  out_ref[...] = out_pre_ref[...] * scale[None, :] + shift[None, :]


def _row_spec(width):
  return pl.BlockSpec((BLK, width), lambda i: (i, 0))


def _full_spec(shape):
  return pl.BlockSpec(shape, lambda i: tuple(0 for _ in shape))



@jax.jit
def kernel(x, edge_index, W_conv, b_conv, W_lin, b_lin, W_gate, b_gate,
           bn_gamma, bn_beta):
  src = edge_index[0]
  dst = edge_index[1]
  pad = E_PAD - E
  pad_dst = N + (jnp.arange(pad, dtype=jnp.int32) % (N_PAD - N))
  src_p = jnp.concatenate([src, jnp.zeros((pad,), jnp.int32)]).reshape(
      NC * NS * R, LW)
  dst_p = jnp.concatenate([dst, pad_dst]).reshape(NC * NS * R, LW)
  zerosN = jnp.zeros((N_PAD, H), jnp.float32)

  deg = _deg_call()(dst_p).reshape(NC, N_PAD)
  degA = deg[0, :N].reshape(N, 1)
  degB = deg[1, :N].reshape(N, 1)

  y = pl.pallas_call(
      _y_body,
      grid=(N // BLK,),
      in_specs=[_row_spec(D), _full_spec((H, D)), _row_spec(1),
                _row_spec(1)],
      out_specs=_row_spec(H),
      out_shape=jax.ShapeDtypeStruct((N, H), jnp.float32),
  )(x, W_conv, degA, degB)

  accs = _gather_scatter_call()(y, src_p, dst_p, zerosN)
  accA = accs[0, :N]
  accB = accs[1, :N]

  bc2 = b_conv.reshape(1, H)
  bg2 = b_gate.reshape(1, H)
  bl2 = b_lin.reshape(1, H)

  out_pre, s8, q8 = pl.pallas_call(
      _fuse_body,
      grid=(N // BLK,),
      in_specs=[_row_spec(H), _row_spec(H), _row_spec(H), _row_spec(1),
                _row_spec(1), _row_spec(D), _full_spec((H, H)),
                _full_spec((1, H)), _full_spec((H, D)), _full_spec((1, H)),
                _full_spec((1, H))],
      out_specs=[_row_spec(H), _full_spec((8, H)), _full_spec((8, H))],
      out_shape=[jax.ShapeDtypeStruct((N, H), jnp.float32),
                 jax.ShapeDtypeStruct((8, H), jnp.float32),
                 jax.ShapeDtypeStruct((8, H), jnp.float32)],
  )(accA, accB, y, degA, degB, x, W_gate, bg2, W_lin, bl2, bc2)

  out = pl.pallas_call(
      _bn_body,
      grid=(N // BLK,),
      in_specs=[_row_spec(H), _full_spec((8, H)), _full_spec((8, H)),
                _full_spec((1, H)), _full_spec((1, H))],
      out_specs=_row_spec(H),
      out_shape=jax.ShapeDtypeStruct((N, H), jnp.float32),
  )(out_pre, s8, q8, bn_gamma.reshape(1, H), bn_beta.reshape(1, H))
  return out

# --- scband reference (transcript-rebuilt; emitter-appended) ---
"""Pipeline reference for scband-splice-graph-3796751090385 (READ-ONLY COPY).

The authoritative reference and input builder live on the scoring server;
editing this copy changes nothing except your own understanding.
"""

import jax, jax.numpy as jnp
import numpy as np

N = 10000
E = 320000
D = 128
H = 128


def setup_inputs(seed: int = 0) -> dict:
    key = jax.random.key(seed)
    ks = jax.random.split(key, 12)
    x = jax.random.normal(ks[0], (N, D), dtype=jnp.float32)
    edge_index = jax.random.randint(ks[1], (2, E), 0, N, dtype=jnp.int32)
    s = 1.0 / np.sqrt(D)
    W_conv = jax.random.uniform(ks[2], (H, D), minval=-s, maxval=s, dtype=jnp.float32)
    b_conv = jnp.zeros((H,), jnp.float32)
    W_lin = jax.random.uniform(ks[3], (H, D), minval=-s, maxval=s, dtype=jnp.float32)
    b_lin = jax.random.uniform(ks[4], (H,), minval=-s, maxval=s, dtype=jnp.float32)
    sh = 1.0 / np.sqrt(H)
    W_gate = jax.random.uniform(ks[5], (H, H), minval=-sh, maxval=sh, dtype=jnp.float32)
    b_gate = jax.random.uniform(ks[6], (H,), minval=-sh, maxval=sh, dtype=jnp.float32)
    bn_gamma = jnp.ones((H,), jnp.float32)
    bn_beta = jnp.zeros((H,), jnp.float32)
    return {"x": x, "edge_index": edge_index, "W_conv": W_conv, "b_conv": b_conv,
            "W_lin": W_lin, "b_lin": b_lin, "W_gate": W_gate, "b_gate": b_gate,
            "bn_gamma": bn_gamma, "bn_beta": bn_beta}


def reference(x, edge_index, W_conv, b_conv, W_lin, b_lin, W_gate, b_gate, bn_gamma, bn_beta):
    n = x.shape[0]
    src = edge_index[0]
    dst = edge_index[1]
    # GCNConv with add_self_loops=True, symmetric normalization
    loop = jnp.arange(n, dtype=src.dtype)
    src2 = jnp.concatenate([src, loop])
    dst2 = jnp.concatenate([dst, loop])
    deg = jnp.zeros((n,), x.dtype).at[dst2].add(1.0)
    deg_inv_sqrt = jnp.where(deg > 0, jax.lax.rsqrt(jnp.maximum(deg, 1e-12)), 0.0)
    norm = deg_inv_sqrt[src2] * deg_inv_sqrt[dst2]
    xw = x @ W_conv.T
    msg = jnp.take(xw, src2, axis=0) * norm[:, None]
    z = jax.ops.segment_sum(msg, dst2, num_segments=n) + b_conv
    z = jnp.tanh(z)
    g = jax.nn.sigmoid(z @ W_gate.T + b_gate)
    xl = x @ W_lin.T + b_lin
    out = (1.0 - g) * xl + g * z
    out = jax.nn.relu(out)
    # BatchNorm over nodes (training-mode batch statistics, biased variance like torch BN)
    mean = out.mean(axis=0)
    var = out.var(axis=0)
    out = (out - mean) * jax.lax.rsqrt(var + 1e-5) * bn_gamma + bn_beta
    # dropout is identity in eval mode
    return out

if __name__ == "__main__":
    import jax
    _d = setup_inputs()
    print(jax.jit(kernel)(*tuple(_d.values())))

</pallas_src>

<mosaic_0001>
#map = affine_map<(d0, d1) -> (0, 0)>
#map1 = affine_map<(d0, d1) -> (0, 0, 0)>
module attributes {stable_mosaic.version = 14 : i64} {
  func.func @_gather_scatter_body(%arg0: i32, %arg1: i32, %arg2: memref<10000x128xf32, #tpu.memory_space<hbm>>, %arg3: memref<2560x128xi32, #tpu.memory_space<hbm>>, %arg4: memref<2560x128xi32, #tpu.memory_space<hbm>>, %arg5: memref<10112x128xf32, #tpu.memory_space<hbm>>, %arg6: memref<2x10112x128xf32, #tpu.memory_space<hbm>>, %arg7: memref<10112x128xf32, #tpu.memory_space<vmem_shared>>, %arg8: memref<40x128xi32, #tpu.memory_space<vmem>>, %arg9: memref<40x128xi32, #tpu.memory_space<vmem>>, %arg10: memref<128x128xf32, #tpu.memory_space<vmem>>, %arg11: memref<128x128xf32, #tpu.memory_space<vmem>>, %arg12: memref<!tpu.dma_semaphore, #tpu.memory_space<semaphore_mem>>, %arg13: memref<!tpu.dma_semaphore, #tpu.memory_space<semaphore_mem>>, %arg14: memref<!tpu.dma_semaphore, #tpu.memory_space<semaphore_mem>>, %arg15: memref<!tpu.dma_semaphore, #tpu.memory_space<semaphore_mem>>) attributes {dimension_semantics = [#tpu.dimension_semantics<core_parallel>, #tpu.dimension_semantics<subcore_parallel>], iteration_bounds = array<i64: 2, 16>, scalar_prefetch = 0 : i64, scratch_operands = 9 : i64, tpu.core_type = #tpu.core_type<sc_vector_subcore>, window_params = [{transform_indices = #map}, {transform_indices = #map}, {transform_indices = #map}, {transform_indices = #map}, {transform_indices = #map1}]} {
    %mul3A = arith.constant 16 : i32
    %mul3A_0 = arith.muli %arg0, %mul3A : i32
    %add3A = arith.addi %mul3A_0, %arg1 : i32
    %mul3A_1 = arith.constant 80 : i32
    %mul3A_2 = arith.muli %add3A, %mul3A_1 : i32
    %mul3A_3 = arith.constant 632 : i32
    %mul3A_4 = arith.muli %arg1, %mul3A_3 : i32
    "tpu.region"() ({
      %run_scoped3A = tpu.sem_alloc : memref<!tpu.dma_semaphore, #tpu.memory_space<semaphore_mem>>
      %dma_start3A = arith.constant 0 : i32
      %dma_start3A_10 = tpu.memref_slice %arg7[%mul3A_4, %dma_start3A] : memref<10112x128xf32, #tpu.memory_space<vmem_shared>> -> memref<632x128xf32, #tpu.memory_space<vmem_shared>>
      %dma_start3A_11 = arith.constant 0 : i32
      %dma_start3A_12 = tpu.memref_slice %arg5[%mul3A_4, %dma_start3A_11] : memref<10112x128xf32, #tpu.memory_space<hbm>> -> memref<632x128xf32, #tpu.memory_space<hbm>>
      tpu.enqueue_dma source(%dma_start3A_12 : memref<632x128xf32, #tpu.memory_space<hbm>>) target(%dma_start3A_10 : memref<632x128xf32, #tpu.memory_space<vmem_shared>>) target_semaphore(%run_scoped3A : memref<!tpu.dma_semaphore, #tpu.memory_space<semaphore_mem>>)
      %dma_wait3A = arith.constant 0 : i32
      %dma_wait3A_13 = tpu.memref_slice %arg7[%mul3A_4, %dma_wait3A] : memref<10112x128xf32, #tpu.memory_space<vmem_shared>> -> memref<632x128xf32, #tpu.memory_space<vmem_shared>>
      %dma_wait3A_14 = arith.constant 0 : i32
      %dma_wait3A_15 = tpu.memref_slice %arg5[%mul3A_4, %dma_wait3A_14] : memref<10112x128xf32, #tpu.memory_space<hbm>> -> memref<632x128xf32, #tpu.memory_space<hbm>>
      tpu.wait_dma2 semaphore(%run_scoped3A : memref<!tpu.dma_semaphore, #tpu.memory_space<semaphore_mem>>) src(%dma_wait3A_15 : memref<632x128xf32, #tpu.memory_space<hbm>>) dst(%dma_wait3A_13 : memref<632x128xf32, #tpu.memory_space<vmem_shared>>)
      tpu.yield
    }) : () -> ()
    %barrier3A = arith.constant 0 : index
    tpu.barrier barrier_id(%barrier3A)
    %scan3A = arith.constant 0 : i32
    %scan3A_5 = arith.constant 2 : i32
    %scan3A_6 = arith.addi %scan3A, %scan3A_5 : i32
    %scan3A_7 = arith.constant 1 : i32
    scf.for %scan3A_10 = %scan3A to %scan3A_6 step %scan3A_7  : i32 {
      %mul3A_11 = arith.constant 1 : i32
      %mul3A_12 = arith.muli %scan3A_10, %mul3A_11 : i32
      %add3A_13 = arith.constant 0 : i32
      %add3A_14 = arith.addi %add3A_13, %mul3A_12 : i32
      %mul3A_15 = arith.constant 40 : i32
      %mul3A_16 = arith.muli %add3A_14, %mul3A_15 : i32
      %add3A_17 = arith.addi %mul3A_2, %mul3A_16 : i32
      "tpu.region"() ({
        %run_scoped3A = tpu.sem_alloc : memref<!tpu.dma_semaphore, #tpu.memory_space<semaphore_mem>>
        %dma_start3A_62 = arith.constant 0 : i32
        %dma_start3A_63 = tpu.memref_slice %arg3[%add3A_17, %dma_start3A_62] : memref<2560x128xi32, #tpu.memory_space<hbm>> -> memref<40x128xi32, #tpu.memory_space<hbm>>
        %dma_start3A_64 = arith.constant 0 : i32
        %dma_start3A_65 = tpu.memref_slice %arg3[%add3A_17, %dma_start3A_64] : memref<2560x128xi32, #tpu.memory_space<hbm>> -> memref<40x128xi32, #tpu.memory_space<hbm>>
        tpu.enqueue_dma source(%dma_start3A_65 : memref<40x128xi32, #tpu.memory_space<hbm>>) target(%arg8 : memref<40x128xi32, #tpu.memory_space<vmem>>) target_semaphore(%run_scoped3A : memref<!tpu.dma_semaphore, #tpu.memory_space<semaphore_mem>>)
        %dma_wait3A = arith.constant 0 : i32
        %dma_wait3A_66 = tpu.memref_slice %arg3[%add3A_17, %dma_wait3A] : memref<2560x128xi32, #tpu.memory_space<hbm>> -> memref<40x128xi32, #tpu.memory_space<hbm>>
        %dma_wait3A_67 = arith.constant 0 : i32
        %dma_wait3A_68 = tpu.memref_slice %arg3[%add3A_17, %dma_wait3A_67] : memref<2560x128xi32, #tpu.memory_space<hbm>> -> memref<40x128xi32, #tpu.memory_space<hbm>>
        tpu.wait_dma2 semaphore(%run_scoped3A : memref<!tpu.dma_semaphore, #tpu.memory_space<semaphore_mem>>) src(%dma_wait3A_68 : memref<40x128xi32, #tpu.memory_space<hbm>>) dst(%arg8 : memref<40x128xi32, #tpu.memory_space<vmem>>)
        tpu.yield
      }) : () -> ()
      "tpu.region"() ({
        %run_scoped3A = tpu.sem_alloc : memref<!tpu.dma_semaphore, #tpu.memory_space<semaphore_mem>>
        %dma_start3A_62 = arith.constant 0 : i32
        %dma_start3A_63 = tpu.memref_slice %arg4[%add3A_17, %dma_start3A_62] : memref<2560x128xi32, #tpu.memory_space<hbm>> -> memref<40x128xi32, #tpu.memory_space<hbm>>
        %dma_start3A_64 = arith.constant 0 : i32
        %dma_start3A_65 = tpu.memref_slice %arg4[%add3A_17, %dma_start3A_64] : memref<2560x128xi32, #tpu.memory_space<hbm>> -> memref<40x128xi32, #tpu.memory_space<hbm>>
        tpu.enqueue_dma source(%dma_start3A_65 : memref<40x128xi32, #tpu.memory_space<hbm>>) target(%arg9 : memref<40x128xi32, #tpu.memory_space<vmem>>) target_semaphore(%run_scoped3A : memref<!tpu.dma_semaphore, #tpu.memory_space<semaphore_mem>>)
        %dma_wait3A = arith.constant 0 : i32
        %dma_wait3A_66 = tpu.memref_slice %arg4[%add3A_17, %dma_wait3A] : memref<2560x128xi32, #tpu.memory_space<hbm>> -> memref<40x128xi32, #tpu.memory_space<hbm>>
        %dma_wait3A_67 = arith.constant 0 : i32
        %dma_wait3A_68 = tpu.memref_slice %arg4[%add3A_17, %dma_wait3A_67] : memref<2560x128xi32, #tpu.memory_space<hbm>> -> memref<40x128xi32, #tpu.memory_space<hbm>>
        tpu.wait_dma2 semaphore(%run_scoped3A : memref<!tpu.dma_semaphore, #tpu.memory_space<semaphore_mem>>) src(%dma_wait3A_68 : memref<40x128xi32, #tpu.memory_space<hbm>>) dst(%arg9 : memref<40x128xi32, #tpu.memory_space<vmem>>)
        tpu.yield
      }) : () -> ()
      %dma_start3A = arith.constant 0 : i32
      %dma_start3A_18 = arith.constant 0 : i32
      %dma_start3A_19 = arith.constant 0 : i32
      %dma_start3A_20 = tpu.memref_slice %arg10[%dma_start3A_18, %dma_start3A_19] : memref<128x128xf32, #tpu.memory_space<vmem>> -> memref<32x128xf32, #tpu.memory_space<vmem>>
      %dma_start3A_21 = arith.constant 0 : i32
      %dma_start3A_22 = tpu.memref_slice %arg8[%dma_start3A, %dma_start3A_21] : memref<40x128xi32, #tpu.memory_space<vmem>> -> memref<1x32xi32, #tpu.memory_space<vmem>>
      %dma_start3A_23 = tpu.memref_squeeze %dma_start3A_22 : memref<1x32xi32, #tpu.memory_space<vmem>> -> memref<32xi32, #tpu.memory_space<vmem>>
      %dma_start3A_24 = arith.constant 0 : i32
      %dma_start3A_25 = arith.constant 0 : i32
      %dma_start3A_26 = tpu.memref_slice %arg2[%dma_start3A_24, %dma_start3A_25] : memref<10000x128xf32, #tpu.memory_space<hbm>> -> memref<10000x128xf32, #tpu.memory_space<hbm>>
      tpu.enqueue_indirect_dma source(%dma_start3A_26 : memref<10000x128xf32, #tpu.memory_space<hbm>>) target(%dma_start3A_20 : memref<32x128xf32, #tpu.memory_space<vmem>>) offsets(%dma_start3A_23 : memref<32xi32, #tpu.memory_space<vmem>>) semaphore(%arg12 : memref<!tpu.dma_semaphore, #tpu.memory_space<semaphore_mem>>)
      %dma_start3A_27 = arith.constant 0 : i32
      %dma_start3A_28 = arith.constant 32 : i32
      %dma_start3A_29 = arith.constant 0 : i32
      %dma_start3A_30 = tpu.memref_slice %arg10[%dma_start3A_28, %dma_start3A_29] : memref<128x128xf32, #tpu.memory_space<vmem>> -> memref<32x128xf32, #tpu.memory_space<vmem>>
      %dma_start3A_31 = arith.constant 32 : i32
      %dma_start3A_32 = tpu.memref_slice %arg8[%dma_start3A_27, %dma_start3A_31] : memref<40x128xi32, #tpu.memory_space<vmem>> -> memref<1x32xi32, #tpu.memory_space<vmem>>
      %dma_start3A_33 = tpu.memref_squeeze %dma_start3A_32 : memref<1x32xi32, #tpu.memory_space<vmem>> -> memref<32xi32, #tpu.memory_space<vmem>>
      %dma_start3A_34 = arith.constant 0 : i32
      %dma_start3A_35 = arith.constant 0 : i32
      %dma_start3A_36 = tpu.memref_slice %arg2[%dma_start3A_34, %dma_start3A_35] : memref<10000x128xf32, #tpu.memory_space<hbm>> -> memref<10000x128xf32, #tpu.memory_space<hbm>>
      tpu.enqueue_indirect_dma source(%dma_start3A_36 : memref<10000x128xf32, #tpu.memory_space<hbm>>) target(%dma_start3A_30 : memref<32x128xf32, #tpu.memory_space<vmem>>) offsets(%dma_start3A_33 : memref<32xi32, #tpu.memory_space<vmem>>) semaphore(%arg12 : memref<!tpu.dma_semaphore, #tpu.memory_space<semaphore_mem>>)
      %dma_start3A_37 = arith.constant 0 : i32
      %dma_start3A_38 = arith.constant 64 : i32
      %dma_start3A_39 = arith.constant 0 : i32
      %dma_start3A_40 = tpu.memref_slice %arg10[%dma_start3A_38, %dma_start3A_39] : memref<128x128xf32, #tpu.memory_space<vmem>> -> memref<32x128xf32, #tpu.memory_space<vmem>>
      %dma_start3A_41 = arith.constant 64 : i32
      %dma_start3A_42 = tpu.memref_slice %arg8[%dma_start3A_37, %dma_start3A_41] : memref<40x128xi32, #tpu.memory_space<vmem>> -> memref<1x32xi32, #tpu.memory_space<vmem>>
      %dma_start3A_43 = tpu.memref_squeeze %dma_start3A_42 : memref<1x32xi32, #tpu.memory_space<vmem>> -> memref<32xi32, #tpu.memory_space<vmem>>
      %dma_start3A_44 = arith.constant 0 : i32
      %dma_start3A_45 = arith.constant 0 : i32
      %dma_start3A_46 = tpu.memref_slice %arg2[%dma_start3A_44, %dma_start3A_45] : memref<10000x128xf32, #tpu.memory_space<hbm>> -> memref<10000x128xf32, #tpu.memory_space<hbm>>
      tpu.enqueue_indirect_dma source(%dma_start3A_46 : memref<10000x128xf32, #tpu.memory_space<hbm>>) target(%dma_start3A_40 : memref<32x128xf32, #tpu.memory_space<vmem>>) offsets(%dma_start3A_43 : memref<32xi32, #tpu.memory_space<vmem>>) semaphore(%arg13 : memref<!tpu.dma_semaphore, #tpu.memory_space<semaphore_mem>>)
      %dma_start3A_47 = arith.constant 0 : i32
      %dma_start3A_48 = arith.constant 96 : i32
      %dma_start3A_49 = arith.constant 0 : i32
      %dma_start3A_50 = tpu.memref_slice %arg10[%dma_start3A_48, %dma_start3A_49] : memref<128x128xf32, #tpu.memory_space<vmem>> -> memref<32x128xf32, #tpu.memory_space<vmem>>
      %dma_start3A_51 = arith.constant 96 : i32
      %dma_start3A_52 = tpu.memref_slice %arg8[%dma_start3A_47, %dma_start3A_51] : memref<40x128xi32, #tpu.memory_space<vmem>> -> memref<1x32xi32, #tpu.memory_space<vmem>>
      %dma_start3A_53 = tpu.memref_squeeze %dma_start3A_52 : memref<1x32xi32, #tpu.memory_space<vmem>> -> memref<32xi32, #tpu.memory_space<vmem>>
      %dma_start3A_54 = arith.constant 0 : i32
      %dma_start3A_55 = arith.constant 0 : i32
      %dma_start3A_56 = tpu.memref_slice %arg2[%dma_start3A_54, %dma_start3A_55] : memref<10000x128xf32, #tpu.memory_space<hbm>> -> memref<10000x128xf32, #tpu.memory_space<hbm>>
      tpu.enqueue_indirect_dma source(%dma_start3A_56 : memref<10000x128xf32, #tpu.memory_space<hbm>>) target(%dma_start3A_50 : memref<32x128xf32, #tpu.memory_space<vmem>>) offsets(%dma_start3A_53 : memref<32xi32, #tpu.memory_space<vmem>>) semaphore(%arg13 : memref<!tpu.dma_semaphore, #tpu.memory_space<semaphore_mem>>)
      %scan3A_57 = arith.constant 0 : i32
      %scan3A_58 = arith.constant 20 : i32
      %scan3A_59 = arith.addi %scan3A_57, %scan3A_58 : i32
      %scan3A_60 = arith.constant 1 : i32
      scf.for %scan3A_62 = %scan3A_57 to %scan3A_59 step %scan3A_60  : i32 {
        %mul3A_63 = arith.constant 2 : i32
        %mul3A_64 = arith.muli %scan3A_62, %mul3A_63 : i32
        %add3A_65 = arith.constant 0 : i32
        %add3A_66 = arith.addi %add3A_65, %mul3A_64 : i32
        %add3A_67 = arith.constant 1 : i32
        %add3A_68 = arith.addi %add3A_66, %add3A_67 : i32
        %dma_start3A_69 = arith.constant 0 : i32
        %dma_start3A_70 = arith.constant 0 : i32
        %dma_start3A_71 = tpu.memref_slice %arg11[%dma_start3A_69, %dma_start3A_70] : memref<128x128xf32, #tpu.memory_space<vmem>> -> memref<32x128xf32, #tpu.memory_space<vmem>>
        %dma_start3A_72 = arith.constant 0 : i32
        %dma_start3A_73 = tpu.memref_slice %arg8[%add3A_68, %dma_start3A_72] : memref<40x128xi32, #tpu.memory_space<vmem>> -> memref<1x32xi32, #tpu.memory_space<vmem>>
        %dma_start3A_74 = tpu.memref_squeeze %dma_start3A_73 : memref<1x32xi32, #tpu.memory_space<vmem>> -> memref<32xi32, #tpu.memory_space<vmem>>
        %dma_start3A_75 = arith.constant 0 : i32
        %dma_start3A_76 = arith.constant 0 : i32
        %dma_start3A_77 = tpu.memref_slice %arg2[%dma_start3A_75, %dma_start3A_76] : memref<10000x128xf32, #tpu.memory_space<hbm>> -> memref<10000x128xf32, #tpu.memory_space<hbm>>
        tpu.enqueue_indirect_dma source(%dma_start3A_77 : memref<10000x128xf32, #tpu.memory_space<hbm>>) target(%dma_start3A_71 : memref<32x128xf32, #tpu.memory_space<vmem>>) offsets(%dma_start3A_74 : memref<32xi32, #tpu.memory_space<vmem>>) semaphore(%arg14 : memref<!tpu.dma_semaphore, #tpu.memory_space<semaphore_mem>>)
        %dma_start3A_78 = arith.constant 32 : i32
        %dma_start3A_79 = arith.constant 0 : i32
        %dma_start3A_80 = tpu.memref_slice %arg11[%dma_start3A_78, %dma_start3A_79] : memref<128x128xf32, #tpu.memory_space<vmem>> -> memref<32x128xf32, #tpu.memory_space<vmem>>
        %dma_start3A_81 = arith.constant 32 : i32
        %dma_start3A_82 = tpu.memref_slice %arg8[%add3A_68, %dma_start3A_81] : memref<40x128xi32, #tpu.memory_space<vmem>> -> memref<1x32xi32, #tpu.memory_space<vmem>>
        %dma_start3A_83 = tpu.memref_squeeze %dma_start3A_82 : memref<1x32xi32, #tpu.memory_space<vmem>> -> memref<32xi32, #tpu.memory_space<vmem>>
        %dma_start3A_84 = arith.constant 0 : i32
        %dma_start3A_85 = arith.constant 0 : i32
        %dma_start3A_86 = tpu.memref_slice %arg2[%dma_start3A_84, %dma_start3A_85] : memref<10000x128xf32, #tpu.memory_space<hbm>> -> memref<10000x128xf32, #tpu.memory_space<hbm>>
        tpu.enqueue_indirect_dma source(%dma_start3A_86 : memref<10000x128xf32, #tpu.memory_space<hbm>>) target(%dma_start3A_80 : memref<32x128xf32, #tpu.memory_space<vmem>>) offsets(%dma_start3A_83 : memref<32xi32, #tpu.memory_space<vmem>>) semaphore(%arg14 : memref<!tpu.dma_semaphore, #tpu.memory_space<semaphore_mem>>)
        %dma_start3A_87 = arith.constant 64 : i32
        %dma_start3A_88 = arith.constant 0 : i32
        %dma_start3A_89 = tpu.memref_slice %arg11[%dma_start3A_87, %dma_start3A_88] : memref<128x128xf32, #tpu.memory_space<vmem>> -> memref<32x128xf32, #tpu.memory_space<vmem>>
        %dma_start3A_90 = arith.constant 64 : i32
        %dma_start3A_91 = tpu.memref_slice %arg8[%add3A_68, %dma_start3A_90] : memref<40x128xi32, #tpu.memory_space<vmem>> -> memref<1x32xi32, #tpu.memory_space<vmem>>
        %dma_start3A_92 = tpu.memref_squeeze %dma_start3A_91 : memref<1x32xi32, #tpu.memory_space<vmem>> -> memref<32xi32, #tpu.memory_space<vmem>>
        %dma_start3A_93 = arith.constant 0 : i32
        %dma_start3A_94 = arith.constant 0 : i32
        %dma_start3A_95 = tpu.memref_slice %arg2[%dma_start3A_93, %dma_start3A_94] : memref<10000x128xf32, #tpu.memory_space<hbm>> -> memref<10000x128xf32, #tpu.memory_space<hbm>>
        tpu.enqueue_indirect_dma source(%dma_start3A_95 : memref<10000x128xf32, #tpu.memory_space<hbm>>) target(%dma_start3A_89 : memref<32x128xf32, #tpu.memory_space<vmem>>) offsets(%dma_start3A_92 : memref<32xi32, #tpu.memory_space<vmem>>) semaphore(%arg15 : memref<!tpu.dma_semaphore, #tpu.memory_space<semaphore_mem>>)
        %dma_start3A_96 = arith.constant 96 : i32
        %dma_start3A_97 = arith.constant 0 : i32
        %dma_start3A_98 = tpu.memref_slice %arg11[%dma_start3A_96, %dma_start3A_97] : memref<128x128xf32, #tpu.memory_space<vmem>> -> memref<32x128xf32, #tpu.memory_space<vmem>>
        %dma_start3A_99 = arith.constant 96 : i32
        %dma_start3A_100 = tpu.memref_slice %arg8[%add3A_68, %dma_start3A_99] : memref<40x128xi32, #tpu.memory_space<vmem>> -> memref<1x32xi32, #tpu.memory_space<vmem>>
        %dma_start3A_101 = tpu.memref_squeeze %dma_start3A_100 : memref<1x32xi32, #tpu.memory_space<vmem>> -> memref<32xi32, #tpu.memory_space<vmem>>
        %dma_start3A_102 = arith.constant 0 : i32
        %dma_start3A_103 = arith.constant 0 : i32
        %dma_start3A_104 = tpu.memref_slice %arg2[%dma_start3A_102, %dma_start3A_103] : memref<10000x128xf32, #tpu.memory_space<hbm>> -> memref<10000x128xf32, #tpu.memory_space<hbm>>
        tpu.enqueue_indirect_dma source(%dma_start3A_104 : memref<10000x128xf32, #tpu.memory_space<hbm>>) target(%dma_start3A_98 : memref<32x128xf32, #tpu.memory_space<vmem>>) offsets(%dma_start3A_101 : memref<32xi32, #tpu.memory_space<vmem>>) semaphore(%arg15 : memref<!tpu.dma_semaphore, #tpu.memory_space<semaphore_mem>>)
        %dma_wait3A = arith.constant 0 : i32
        %dma_wait3A_105 = arith.constant 0 : i32
        %dma_wait3A_106 = tpu.memref_slice %arg10[%dma_wait3A, %dma_wait3A_105] : memref<128x128xf32, #tpu.memory_space<vmem>> -> memref<32x128xf32, #tpu.memory_space<vmem>>
        %dma_wait3A_107 = arith.constant 0 : i32
        %dma_wait3A_108 = tpu.memref_slice %arg8[%add3A_66, %dma_wait3A_107] : memref<40x128xi32, #tpu.memory_space<vmem>> -> memref<1x32xi32, #tpu.memory_space<vmem>>
        %dma_wait3A_109 = tpu.memref_squeeze %dma_wait3A_108 : memref<1x32xi32, #tpu.memory_space<vmem>> -> memref<32xi32, #tpu.memory_space<vmem>>
        %dma_wait3A_110 = arith.constant 0 : i32
        %dma_wait3A_111 = arith.constant 0 : i32
        %dma_wait3A_112 = tpu.memref_slice %arg2[%dma_wait3A_110, %dma_wait3A_111] : memref<10000x128xf32, #tpu.memory_space<hbm>> -> memref<10000x128xf32, #tpu.memory_space<hbm>>
        tpu.wait_indirect_dma semaphore(%arg12 : memref<!tpu.dma_semaphore, #tpu.memory_space<semaphore_mem>>) src(%dma_wait3A_112 : memref<10000x128xf32, #tpu.memory_space<hbm>>) dst(%dma_wait3A_106 : memref<32x128xf32, #tpu.memory_space<vmem>>)
        %dma_wait3A_113 = arith.constant 32 : i32
        %dma_wait3A_114 = arith.constant 0 : i32
        %dma_wait3A_115 = tpu.memref_slice %arg10[%dma_wait3A_113, %dma_wait3A_114] : memref<128x128xf32, #tpu.memory_space<vmem>> -> memref<32x128xf32, #tpu.memory_space<vmem>>
        %dma_wait3A_116 = arith.constant 32 : i32
        %dma_wait3A_117 = tpu.memref_slice %arg8[%add3A_66, %dma_wait3A_116] : memref<40x128xi32, #tpu.memory_space<vmem>> -> memref<1x32xi32, #tpu.memory_space<vmem>>
        %dma_wait3A_118 = tpu.memref_squeeze %dma_wait3A_117 : memref<1x32xi32, #tpu.memory_space<vmem>> -> memref<32xi32, #tpu.memory_space<vmem>>
        %dma_wait3A_119 = arith.constant 0 : i32
        %dma_wait3A_120 = arith.constant 0 : i32
        %dma_wait3A_121 = tpu.memref_slice %arg2[%dma_wait3A_119, %dma_wait3A_120] : memref<10000x128xf32, #tpu.memory_space<hbm>> -> memref<10000x128xf32, #tpu.memory_space<hbm>>
        tpu.wait_indirect_dma semaphore(%arg12 : memref<!tpu.dma_semaphore, #tpu.memory_space<semaphore_mem>>) src(%dma_wait3A_121 : memref<10000x128xf32, #tpu.memory_space<hbm>>) dst(%dma_wait3A_115 : memref<32x128xf32, #tpu.memory_space<vmem>>)
        %dma_wait3A_122 = arith.constant 64 : i32
        %dma_wait3A_123 = arith.constant 0 : i32
        %dma_wait3A_124 = tpu.memref_slice %arg10[%dma_wait3A_122, %dma_wait3A_123] : memref<128x128xf32, #tpu.memory_space<vmem>> -> memref<32x128xf32, #tpu.memory_space<vmem>>
        %dma_wait3A_125 = arith.constant 64 : i32
        %dma_wait3A_126 = tpu.memref_slice %arg8[%add3A_66, %dma_wait3A_125] : memref<40x128xi32, #tpu.memory_space<vmem>> -> memref<1x32xi32, #tpu.memory_space<vmem>>
        %dma_wait3A_127 = tpu.memref_squeeze %dma_wait3A_126 : memref<1x32xi32, #tpu.memory_space<vmem>> -> memref<32xi32, #tpu.memory_space<vmem>>
        %dma_wait3A_128 = arith.constant 0 : i32
        %dma_wait3A_129 = arith.constant 0 : i32
        %dma_wait3A_130 = tpu.memref_slice %arg2[%dma_wait3A_128, %dma_wait3A_129] : memref<10000x128xf32, #tpu.memory_space<hbm>> -> memref<10000x128xf32, #tpu.memory_space<hbm>>
        tpu.wait_indirect_dma semaphore(%arg13 : memref<!tpu.dma_semaphore, #tpu.memory_space<semaphore_mem>>) src(%dma_wait3A_130 : memref<10000x128xf32, #tpu.memory_space<hbm>>) dst(%dma_wait3A_124 : memref<32x128xf32, #tpu.memory_space<vmem>>)
        %dma_wait3A_131 = arith.constant 96 : i32
        %dma_wait3A_132 = arith.constant 0 : i32
        %dma_wait3A_133 = tpu.memref_slice %arg10[%dma_wait3A_131, %dma_wait3A_132] : memref<128x128xf32, #tpu.memory_space<vmem>> -> memref<32x128xf32, #tpu.memory_space<vmem>>
        %dma_wait3A_134 = arith.constant 96 : i32
        %dma_wait3A_135 = tpu.memref_slice %arg8[%add3A_66, %dma_wait3A_134] : memref<40x128xi32, #tpu.memory_space<vmem>> -> memref<1x32xi32, #tpu.memory_space<vmem>>
        %dma_wait3A_136 = tpu.memref_squeeze %dma_wait3A_135 : memref<1x32xi32, #tpu.memory_space<vmem>> -> memref<32xi32, #tpu.memory_space<vmem>>
        %dma_wait3A_137 = arith.constant 0 : i32
        %dma_wait3A_138 = arith.constant 0 : i32
        %dma_wait3A_139 = tpu.memref_slice %arg2[%dma_wait3A_137, %dma_wait3A_138] : memref<10000x128xf32, #tpu.memory_space<hbm>> -> memref<10000x128xf32, #tpu.memory_space<hbm>>
        tpu.wait_indirect_dma semaphore(%arg13 : memref<!tpu.dma_semaphore, #tpu.memory_space<semaphore_mem>>) src(%dma_wait3A_139 : memref<10000x128xf32, #tpu.memory_space<hbm>>) dst(%dma_wait3A_133 : memref<32x128xf32, #tpu.memory_space<vmem>>)
        "tpu.region"() ({
          %run_scoped3A = tpu.sem_alloc : memref<!tpu.dma_semaphore, #tpu.memory_space<semaphore_mem>>
          %dma_start3A_184 = arith.constant 0 : i32
          %dma_start3A_185 = tpu.memref_slice %arg9[%add3A_66, %dma_start3A_184] : memref<40x128xi32, #tpu.memory_space<vmem>> -> memref<1x128xi32, #tpu.memory_space<vmem>>
          %dma_start3A_186 = tpu.memref_squeeze %dma_start3A_185 : memref<1x128xi32, #tpu.memory_space<vmem>> -> memref<128xi32, #tpu.memory_space<vmem>>
          %dma_start3A_187 = arith.constant 0 : i32
          %dma_start3A_188 = arith.constant 0 : i32
          %dma_start3A_189 = tpu.memref_slice %arg7[%dma_start3A_187, %dma_start3A_188] : memref<10112x128xf32, #tpu.memory_space<vmem_shared>> -> memref<10112x128xf32, #tpu.memory_space<vmem_shared>>
          tpu.enqueue_indirect_dma source(%arg10 : memref<128x128xf32, #tpu.memory_space<vmem>>) target(%dma_start3A_189 : memref<10112x128xf32, #tpu.memory_space<vmem_shared>>) offsets(%dma_start3A_186 : memref<128xi32, #tpu.memory_space<vmem>>) semaphore(%run_scoped3A : memref<!tpu.dma_semaphore, #tpu.memory_space<semaphore_mem>>) {add = true}
          %dma_wait3A_190 = arith.constant 0 : i32
          %dma_wait3A_191 = tpu.memref_slice %arg9[%add3A_66, %dma_wait3A_190] : memref<40x128xi32, #tpu.memory_space<vmem>> -> memref<1x128xi32, #tpu.memory_space<vmem>>
          %dma_wait3A_192 = tpu.memref_squeeze %dma_wait3A_191 : memref<1x128xi32, #tpu.memory_space<vmem>> -> memref<128xi32, #tpu.memory_space<vmem>>
          %dma_wait3A_193 = arith.constant 0 : i32
          %dma_wait3A_194 = arith.constant 0 : i32
          %dma_wait3A_195 = tpu.memref_slice %arg7[%dma_wait3A_193, %dma_wait3A_194] : memref<10112x128xf32, #tpu.memory_space<vmem_shared>> -> memref<10112x128xf32, #tpu.memory_space<vmem_shared>>
          tpu.wait_indirect_dma semaphore(%run_scoped3A : memref<!tpu.dma_semaphore, #tpu.memory_space<semaphore_mem>>) src(%arg10 : memref<128x128xf32, #tpu.memory_space<vmem>>) dst(%dma_wait3A_195 : memref<10112x128xf32, #tpu.memory_space<vmem_shared>>)
          tpu.yield
        }) : () -> ()
        %add3A_140 = arith.constant 2 : i32
        %add3A_141 = arith.addi %add3A_66, %add3A_140 : i32
        %lt3A = arith.constant 40 : i32
        %lt3A_142 = arith.cmpi slt, %add3A_141, %lt3A : i32
        %convert_element_type3A = arith.extui %lt3A_142 : i1 to i32
        %cond3A = arith.constant 0 : i32
        %cond3A_143 = arith.cmpi ne, %convert_element_type3A, %cond3A : i32
        scf.if %cond3A_143 {
          %add3A_184 = arith.constant 2 : i32
          %add3A_185 = arith.addi %add3A_66, %add3A_184 : i32
          %dma_start3A_186 = arith.constant 0 : i32
          %dma_start3A_187 = arith.constant 0 : i32
          %dma_start3A_188 = tpu.memref_slice %arg10[%dma_start3A_186, %dma_start3A_187] : memref<128x128xf32, #tpu.memory_space<vmem>> -> memref<32x128xf32, #tpu.memory_space<vmem>>
          %dma_start3A_189 = arith.constant 0 : i32
          %dma_start3A_190 = tpu.memref_slice %arg8[%add3A_185, %dma_start3A_189] : memref<40x128xi32, #tpu.memory_space<vmem>> -> memref<1x32xi32, #tpu.memory_space<vmem>>
          %dma_start3A_191 = tpu.memref_squeeze %dma_start3A_190 : memref<1x32xi32, #tpu.memory_space<vmem>> -> memref<32xi32, #tpu.memory_space<vmem>>
          %dma_start3A_192 = arith.constant 0 : i32
          %dma_start3A_193 = arith.constant 0 : i32
          %dma_start3A_194 = tpu.memref_slice %arg2[%dma_start3A_192, %dma_start3A_193] : memref<10000x128xf32, #tpu.memory_space<hbm>> -> memref<10000x128xf32, #tpu.memory_space<hbm>>
          tpu.enqueue_indirect_dma source(%dma_start3A_194 : memref<10000x128xf32, #tpu.memory_space<hbm>>) target(%dma_start3A_188 : memref<32x128xf32, #tpu.memory_space<vmem>>) offsets(%dma_start3A_191 : memref<32xi32, #tpu.memory_space<vmem>>) semaphore(%arg12 : memref<!tpu.dma_semaphore, #tpu.memory_space<semaphore_mem>>)
          %dma_start3A_195 = arith.constant 32 : i32
          %dma_start3A_196 = arith.constant 0 : i32
          %dma_start3A_197 = tpu.memref_slice %arg10[%dma_start3A_195, %dma_start3A_196] : memref<128x128xf32, #tpu.memory_space<vmem>> -> memref<32x128xf32, #tpu.memory_space<vmem>>
          %dma_start3A_198 = arith.constant 32 : i32
          %dma_start3A_199 = tpu.memref_slice %arg8[%add3A_185, %dma_start3A_198] : memref<40x128xi32, #tpu.memory_space<vmem>> -> memref<1x32xi32, #tpu.memory_space<vmem>>
          %dma_start3A_200 = tpu.memref_squeeze %dma_start3A_199 : memref<1x32xi32, #tpu.memory_space<vmem>> -> memref<32xi32, #tpu.memory_space<vmem>>
          %dma_start3A_201 = arith.constant 0 : i32
          %dma_start3A_202 = arith.constant 0 : i32
          %dma_start3A_203 = tpu.memref_slice %arg2[%dma_start3A_201, %dma_start3A_202] : memref<10000x128xf32, #tpu.memory_space<hbm>> -> memref<10000x128xf32, #tpu.memory_space<hbm>>
          tpu.enqueue_indirect_dma source(%dma_start3A_203 : memref<10000x128xf32, #tpu.memory_space<hbm>>) target(%dma_start3A_197 : memref<32x128xf32, #tpu.memory_space<vmem>>) offsets(%dma_start3A_200 : memref<32xi32, #tpu.memory_space<vmem>>) semaphore(%arg12 : memref<!tpu.dma_semaphore, #tpu.memory_space<semaphore_mem>>)
          %dma_start3A_204 = arith.constant 64 : i32
          %dma_start3A_205 = arith.constant 0 : i32
          %dma_start3A_206 = tpu.memref_slice %arg10[%dma_start3A_204, %dma_start3A_205] : memref<128x128xf32, #tpu.memory_space<vmem>> -> memref<32x128xf32, #tpu.memory_space<vmem>>
          %dma_start3A_207 = arith.constant 64 : i32
          %dma_start3A_208 = tpu.memref_slice %arg8[%add3A_185, %dma_start3A_207] : memref<40x128xi32, #tpu.memory_space<vmem>> -> memref<1x32xi32, #tpu.memory_space<vmem>>
          %dma_start3A_209 = tpu.memref_squeeze %dma_start3A_208 : memref<1x32xi32, #tpu.memory_space<vmem>> -> memref<32xi32, #tpu.memory_space<vmem>>
          %dma_start3A_210 = arith.constant 0 : i32
          %dma_start3A_211 = arith.constant 0 : i32
          %dma_start3A_212 = tpu.memref_slice %arg2[%dma_start3A_210, %dma_start3A_211] : memref<10000x128xf32, #tpu.memory_space<hbm>> -> memref<10000x128xf32, #tpu.memory_space<hbm>>
          tpu.enqueue_indirect_dma source(%dma_start3A_212 : memref<10000x128xf32, #tpu.memory_space<hbm>>) target(%dma_start3A_206 : memref<32x128xf32, #tpu.memory_space<vmem>>) offsets(%dma_start3A_209 : memref<32xi32, #tpu.memory_space<vmem>>) semaphore(%arg13 : memref<!tpu.dma_semaphore, #tpu.memory_space<semaphore_mem>>)
          %dma_start3A_213 = arith.constant 96 : i32
          %dma_start3A_214 = arith.constant 0 : i32
          %dma_start3A_215 = tpu.memref_slice %arg10[%dma_start3A_213, %dma_start3A_214] : memref<128x128xf32, #tpu.memory_space<vmem>> -> memref<32x128xf32, #tpu.memory_space<vmem>>
          %dma_start3A_216 = arith.constant 96 : i32
          %dma_start3A_217 = tpu.memref_slice %arg8[%add3A_185, %dma_start3A_216] : memref<40x128xi32, #tpu.memory_space<vmem>> -> memref<1x32xi32, #tpu.memory_space<vmem>>
          %dma_start3A_218 = tpu.memref_squeeze %dma_start3A_217 : memref<1x32xi32, #tpu.memory_space<vmem>> -> memref<32xi32, #tpu.memory_space<vmem>>
          %dma_start3A_219 = arith.constant 0 : i32
          %dma_start3A_220 = arith.constant 0 : i32
          %dma_start3A_221 = tpu.memref_slice %arg2[%dma_start3A_219, %dma_start3A_220] : memref<10000x128xf32, #tpu.memory_space<hbm>> -> memref<10000x128xf32, #tpu.memory_space<hbm>>
          tpu.enqueue_indirect_dma source(%dma_start3A_221 : memref<10000x128xf32, #tpu.memory_space<hbm>>) target(%dma_start3A_215 : memref<32x128xf32, #tpu.memory_space<vmem>>) offsets(%dma_start3A_218 : memref<32xi32, #tpu.memory_space<vmem>>) semaphore(%arg13 : memref<!tpu.dma_semaphore, #tpu.memory_space<semaphore_mem>>)
        } else {
        }
        %add3A_144 = arith.constant 1 : i32
        %add3A_145 = arith.addi %add3A_66, %add3A_144 : i32
        %dma_wait3A_146 = arith.constant 0 : i32
        %dma_wait3A_147 = arith.constant 0 : i32
        %dma_wait3A_148 = tpu.memref_slice %arg11[%dma_wait3A_146, %dma_wait3A_147] : memref<128x128xf32, #tpu.memory_space<vmem>> -> memref<32x128xf32, #tpu.memory_space<vmem>>
        %dma_wait3A_149 = arith.constant 0 : i32
        %dma_wait3A_150 = tpu.memref_slice %arg8[%add3A_145, %dma_wait3A_149] : memref<40x128xi32, #tpu.memory_space<vmem>> -> memref<1x32xi32, #tpu.memory_space<vmem>>
        %dma_wait3A_151 = tpu.memref_squeeze %dma_wait3A_150 : memref<1x32xi32, #tpu.memory_space<vmem>> -> memref<32xi32, #tpu.memory_space<vmem>>
        %dma_wait3A_152 = arith.constant 0 : i32
        %dma_wait3A_153 = arith.constant 0 : i32
        %dma_wait3A_154 = tpu.memref_slice %arg2[%dma_wait3A_152, %dma_wait3A_153] : memref<10000x128xf32, #tpu.memory_space<hbm>> -> memref<10000x128xf32, #tpu.memory_space<hbm>>
        tpu.wait_indirect_dma semaphore(%arg14 : memref<!tpu.dma_semaphore, #tpu.memory_space<semaphore_mem>>) src(%dma_wait3A_154 : memref<10000x128xf32, #tpu.memory_space<hbm>>) dst(%dma_wait3A_148 : memref<32x128xf32, #tpu.memory_space<vmem>>)
        %dma_wait3A_155 = arith.constant 32 : i32
        %dma_wait3A_156 = arith.constant 0 : i32
        %dma_wait3A_157 = tpu.memref_slice %arg11[%dma_wait3A_155, %dma_wait3A_156] : memref<128x128xf32, #tpu.memory_space<vmem>> -> memref<32x128xf32, #tpu.memory_space<vmem>>
        %dma_wait3A_158 = arith.constant 32 : i32
        %dma_wait3A_159 = tpu.memref_slice %arg8[%add3A_145, %dma_wait3A_158] : memref<40x128xi32, #tpu.memory_space<vmem>> -> memref<1x32xi32, #tpu.memory_space<vmem>>
        %dma_wait3A_160 = tpu.memref_squeeze %dma_wait3A_159 : memref<1x32xi32, #tpu.memory_space<vmem>> -> memref<32xi32, #tpu.memory_space<vmem>>
        %dma_wait3A_161 = arith.constant 0 : i32
        %dma_wait3A_162 = arith.constant 0 : i32
        %dma_wait3A_163 = tpu.memref_slice %arg2[%dma_wait3A_161, %dma_wait3A_162] : memref<10000x128xf32, #tpu.memory_space<hbm>> -> memref<10000x128xf32, #tpu.memory_space<hbm>>
        tpu.wait_indirect_dma semaphore(%arg14 : memref<!tpu.dma_semaphore, #tpu.memory_space<semaphore_mem>>) src(%dma_wait3A_163 : memref<10000x128xf32, #tpu.memory_space<hbm>>) dst(%dma_wait3A_157 : memref<32x128xf32, #tpu.memory_space<vmem>>)
        %dma_wait3A_164 = arith.constant 64 : i32
        %dma_wait3A_165 = arith.constant 0 : i32
        %dma_wait3A_166 = tpu.memref_slice %arg11[%dma_wait3A_164, %dma_wait3A_165] : memref<128x128xf32, #tpu.memory_space<vmem>> -> memref<32x128xf32, #tpu.memory_space<vmem>>
        %dma_wait3A_167 = arith.constant 64 : i32
        %dma_wait3A_168 = tpu.memref_slice %arg8[%add3A_145, %dma_wait3A_167] : memref<40x128xi32, #tpu.memory_space<vmem>> -> memref<1x32xi32, #tpu.memory_space<vmem>>
        %dma_wait3A_169 = tpu.memref_squeeze %dma_wait3A_168 : memref<1x32xi32, #tpu.memory_space<vmem>> -> memref<32xi32, #tpu.memory_space<vmem>>
        %dma_wait3A_170 = arith.constant 0 : i32
        %dma_wait3A_171 = arith.constant 0 : i32
        %dma_wait3A_172 = tpu.memref_slice %arg2[%dma_wait3A_170, %dma_wait3A_171] : memref<10000x128xf32, #tpu.memory_space<hbm>> -> memref<10000x128xf32, #tpu.memory_space<hbm>>
        tpu.wait_indirect_dma semaphore(%arg15 : memref<!tpu.dma_semaphore, #tpu.memory_space<semaphore_mem>>) src(%dma_wait3A_172 : memref<10000x128xf32, #tpu.memory_space<hbm>>) dst(%dma_wait3A_166 : memref<32x128xf32, #tpu.memory_space<vmem>>)
        %dma_wait3A_173 = arith.constant 96 : i32
        %dma_wait3A_174 = arith.constant 0 : i32
        %dma_wait3A_175 = tpu.memref_slice %arg11[%dma_wait3A_173, %dma_wait3A_174] : memref<128x128xf32, #tpu.memory_space<vmem>> -> memref<32x128xf32, #tpu.memory_space<vmem>>
        %dma_wait3A_176 = arith.constant 96 : i32
        %dma_wait3A_177 = tpu.memref_slice %arg8[%add3A_145, %dma_wait3A_176] : memref<40x128xi32, #tpu.memory_space<vmem>> -> memref<1x32xi32, #tpu.memory_space<vmem>>
        %dma_wait3A_178 = tpu.memref_squeeze %dma_wait3A_177 : memref<1x32xi32, #tpu.memory_space<vmem>> -> memref<32xi32, #tpu.memory_space<vmem>>
        %dma_wait3A_179 = arith.constant 0 : i32
        %dma_wait3A_180 = arith.constant 0 : i32
        %dma_wait3A_181 = tpu.memref_slice %arg2[%dma_wait3A_179, %dma_wait3A_180] : memref<10000x128xf32, #tpu.memory_space<hbm>> -> memref<10000x128xf32, #tpu.memory_space<hbm>>
        tpu.wait_indirect_dma semaphore(%arg15 : memref<!tpu.dma_semaphore, #tpu.memory_space<semaphore_mem>>) src(%dma_wait3A_181 : memref<10000x128xf32, #tpu.memory_space<hbm>>) dst(%dma_wait3A_175 : memref<32x128xf32, #tpu.memory_space<vmem>>)
        %add3A_182 = arith.constant 1 : i32
        %add3A_183 = arith.addi %add3A_66, %add3A_182 : i32
        "tpu.region"() ({
          %run_scoped3A = tpu.sem_alloc : memref<!tpu.dma_semaphore, #tpu.memory_space<semaphore_mem>>
          %dma_start3A_184 = arith.constant 0 : i32
          %dma_start3A_185 = tpu.memref_slice %arg9[%add3A_183, %dma_start3A_184] : memref<40x128xi32, #tpu.memory_space<vmem>> -> memref<1x128xi32, #tpu.memory_space<vmem>>
          %dma_start3A_186 = tpu.memref_squeeze %dma_start3A_185 : memref<1x128xi32, #tpu.memory_space<vmem>> -> memref<128xi32, #tpu.memory_space<vmem>>
          %dma_start3A_187 = arith.constant 0 : i32
          %dma_start3A_188 = arith.constant 0 : i32
          %dma_start3A_189 = tpu.memref_slice %arg7[%dma_start3A_187, %dma_start3A_188] : memref<10112x128xf32, #tpu.memory_space<vmem_shared>> -> memref<10112x128xf32, #tpu.memory_space<vmem_shared>>
          tpu.enqueue_indirect_dma source(%arg11 : memref<128x128xf32, #tpu.memory_space<vmem>>) target(%dma_start3A_189 : memref<10112x128xf32, #tpu.memory_space<vmem_shared>>) offsets(%dma_start3A_186 : memref<128xi32, #tpu.memory_space<vmem>>) semaphore(%run_scoped3A : memref<!tpu.dma_semaphore, #tpu.memory_space<semaphore_mem>>) {add = true}
          %dma_wait3A_190 = arith.constant 0 : i32
          %dma_wait3A_191 = tpu.memref_slice %arg9[%add3A_183, %dma_wait3A_190] : memref<40x128xi32, #tpu.memory_space<vmem>> -> memref<1x128xi32, #tpu.memory_space<vmem>>
          %dma_wait3A_192 = tpu.memref_squeeze %dma_wait3A_191 : memref<1x128xi32, #tpu.memory_space<vmem>> -> memref<128xi32, #tpu.memory_space<vmem>>
          %dma_wait3A_193 = arith.constant 0 : i32
          %dma_wait3A_194 = arith.constant 0 : i32
          %dma_wait3A_195 = tpu.memref_slice %arg7[%dma_wait3A_193, %dma_wait3A_194] : memref<10112x128xf32, #tpu.memory_space<vmem_shared>> -> memref<10112x128xf32, #tpu.memory_space<vmem_shared>>
          tpu.wait_indirect_dma semaphore(%run_scoped3A : memref<!tpu.dma_semaphore, #tpu.memory_space<semaphore_mem>>) src(%arg11 : memref<128x128xf32, #tpu.memory_space<vmem>>) dst(%dma_wait3A_195 : memref<10112x128xf32, #tpu.memory_space<vmem_shared>>)
          tpu.yield
        }) : () -> ()
      }
      %scan3A_61 = arith.constant 20 : i32
    }
    %scan3A_8 = arith.constant 2 : i32
    %barrier3A_9 = arith.constant 0 : index
    tpu.barrier barrier_id(%barrier3A_9)
    "tpu.region"() ({
      %run_scoped3A = tpu.sem_alloc : memref<!tpu.dma_semaphore, #tpu.memory_space<semaphore_mem>>
      %dma_start3A = arith.constant 0 : i32
      %dma_start3A_10 = tpu.memref_slice %arg6[%arg0, %mul3A_4, %dma_start3A] : memref<2x10112x128xf32, #tpu.memory_space<hbm>> -> memref<1x632x128xf32, #tpu.memory_space<hbm>>
      %dma_start3A_11 = tpu.memref_squeeze %dma_start3A_10 : memref<1x632x128xf32, #tpu.memory_space<hbm>> -> memref<632x128xf32, #tpu.memory_space<hbm>>
      %dma_start3A_12 = arith.constant 0 : i32
      %dma_start3A_13 = tpu.memref_slice %arg7[%mul3A_4, %dma_start3A_12] : memref<10112x128xf32, #tpu.memory_space<vmem_shared>> -> memref<632x128xf32, #tpu.memory_space<vmem_shared>>
      tpu.enqueue_dma source(%dma_start3A_13 : memref<632x128xf32, #tpu.memory_space<vmem_shared>>) target(%dma_start3A_11 : memref<632x128xf32, #tpu.memory_space<hbm>>) target_semaphore(%run_scoped3A : memref<!tpu.dma_semaphore, #tpu.memory_space<semaphore_mem>>)
      %dma_wait3A = arith.constant 0 : i32
      %dma_wait3A_14 = tpu.memref_slice %arg6[%arg0, %mul3A_4, %dma_wait3A] : memref<2x10112x128xf32, #tpu.memory_space<hbm>> -> memref<1x632x128xf32, #tpu.memory_space<hbm>>
      %dma_wait3A_15 = tpu.memref_squeeze %dma_wait3A_14 : memref<1x632x128xf32, #tpu.memory_space<hbm>> -> memref<632x128xf32, #tpu.memory_space<hbm>>
      %dma_wait3A_16 = arith.constant 0 : i32
      %dma_wait3A_17 = tpu.memref_slice %arg7[%mul3A_4, %dma_wait3A_16] : memref<10112x128xf32, #tpu.memory_space<vmem_shared>> -> memref<632x128xf32, #tpu.memory_space<vmem_shared>>
      tpu.wait_dma2 semaphore(%run_scoped3A : memref<!tpu.dma_semaphore, #tpu.memory_space<semaphore_mem>>) src(%dma_wait3A_17 : memref<632x128xf32, #tpu.memory_space<vmem_shared>>) dst(%dma_wait3A_15 : memref<632x128xf32, #tpu.memory_space<hbm>>)
      tpu.yield
    }) : () -> ()
    return
  }
}

#map = affine_map<(d0, d1) -> (0, 0)>
#map1 = affine_map<(d0, d1) -> (0)>
module attributes {stable_mosaic.version = 14 : i64} {
  func.func @_deg_body(%arg0: i32, %arg1: i32, %arg2: memref<2560x128xi32, #tpu.memory_space<hbm>>, %arg3: memref<20224xf32, #tpu.memory_space<hbm>>, %arg4: memref<10112xf32, #tpu.memory_space<vmem_shared>>, %arg5: memref<80x128xi32, #tpu.memory_space<vmem>>, %arg6: memref<128xf32, #tpu.memory_space<vmem>>, %arg7: memref<640xf32, #tpu.memory_space<vmem>>) attributes {dimension_semantics = [#tpu.dimension_semantics<core_parallel>, #tpu.dimension_semantics<subcore_parallel>], iteration_bounds = array<i64: 2, 16>, scalar_prefetch = 0 : i64, scratch_operands = 4 : i64, tpu.core_type = #tpu.core_type<sc_vector_subcore>, window_params = [{transform_indices = #map}, {transform_indices = #map1}]} {
    %mul3A = arith.constant 16 : i32
    %mul3A_0 = arith.muli %arg0, %mul3A : i32
    %add3A = arith.addi %mul3A_0, %arg1 : i32
    %mul3A_1 = arith.constant 632 : i32
    %mul3A_2 = arith.muli %arg1, %mul3A_1 : i32
    %broadcast_in_dim3A = arith.constant 1.000000e+00 : f32
    %broadcast_in_dim3A_3 = vector.broadcast %broadcast_in_dim3A : f32 to vector<16xf32>
    %swap3A = arith.constant 0 : index
    %swap3A_4 = tpu.vector_load %arg6[%swap3A] {strides = array<i32>} : memref<128xf32, #tpu.memory_space<vmem>>, vector<16xf32>,
    %swap3A_5 = vector.shape_cast %swap3A_4 : vector<16xf32> to vector<16xf32>
    %swap3A_6 = vector.shape_cast %broadcast_in_dim3A_3 : vector<16xf32> to vector<16xf32>
    tpu.vector_store %arg6[%swap3A], %swap3A_6 {strides = array<i32>} : memref<128xf32, #tpu.memory_space<vmem>>, vector<16xf32>,
    %broadcast_in_dim3A_7 = arith.constant 1.000000e+00 : f32
    %broadcast_in_dim3A_8 = vector.broadcast %broadcast_in_dim3A_7 : f32 to vector<16xf32>
    %swap3A_9 = arith.constant 16 : index
    %swap3A_10 = tpu.vector_load %arg6[%swap3A_9] {strides = array<i32>} : memref<128xf32, #tpu.memory_space<vmem>>, vector<16xf32>,
    %swap3A_11 = vector.shape_cast %swap3A_10 : vector<16xf32> to vector<16xf32>
    %swap3A_12 = vector.shape_cast %broadcast_in_dim3A_8 : vector<16xf32> to vector<16xf32>
    tpu.vector_store %arg6[%swap3A_9], %swap3A_12 {strides = array<i32>} : memref<128xf32, #tpu.memory_space<vmem>>, vector<16xf32>,
    %broadcast_in_dim3A_13 = arith.constant 1.000000e+00 : f32
    %broadcast_in_dim3A_14 = vector.broadcast %broadcast_in_dim3A_13 : f32 to vector<16xf32>
    %swap3A_15 = arith.constant 32 : index
    %swap3A_16 = tpu.vector_load %arg6[%swap3A_15] {strides = array<i32>} : memref<128xf32, #tpu.memory_space<vmem>>, vector<16xf32>,
    %swap3A_17 = vector.shape_cast %swap3A_16 : vector<16xf32> to vector<16xf32>
    %swap3A_18 = vector.shape_cast %broadcast_in_dim3A_14 : vector<16xf32> to vector<16xf32>
    tpu.vector_store %arg6[%swap3A_15], %swap3A_18 {strides = array<i32>} : memref<128xf32, #tpu.memory_space<vmem>>, vector<16xf32>,
    %broadcast_in_dim3A_19 = arith.constant 1.000000e+00 : f32
    %broadcast_in_dim3A_20 = vector.broadcast %broadcast_in_dim3A_19 : f32 to vector<16xf32>
    %swap3A_21 = arith.constant 48 : index
    %swap3A_22 = tpu.vector_load %arg6[%swap3A_21] {strides = array<i32>} : memref<128xf32, #tpu.memory_space<vmem>>, vector<16xf32>,
    %swap3A_23 = vector.shape_cast %swap3A_22 : vector<16xf32> to vector<16xf32>
    %swap3A_24 = vector.shape_cast %broadcast_in_dim3A_20 : vector<16xf32> to vector<16xf32>
    tpu.vector_store %arg6[%swap3A_21], %swap3A_24 {strides = array<i32>} : memref<128xf32, #tpu.memory_space<vmem>>, vector<16xf32>,
    %broadcast_in_dim3A_25 = arith.constant 1.000000e+00 : f32
    %broadcast_in_dim3A_26 = vector.broadcast %broadcast_in_dim3A_25 : f32 to vector<16xf32>
    %swap3A_27 = arith.constant 64 : index
    %swap3A_28 = tpu.vector_load %arg6[%swap3A_27] {strides = array<i32>} : memref<128xf32, #tpu.memory_space<vmem>>, vector<16xf32>,
    %swap3A_29 = vector.shape_cast %swap3A_28 : vector<16xf32> to vector<16xf32>
    %swap3A_30 = vector.shape_cast %broadcast_in_dim3A_26 : vector<16xf32> to vector<16xf32>
    tpu.vector_store %arg6[%swap3A_27], %swap3A_30 {strides = array<i32>} : memref<128xf32, #tpu.memory_space<vmem>>, vector<16xf32>,
    %broadcast_in_dim3A_31 = arith.constant 1.000000e+00 : f32
    %broadcast_in_dim3A_32 = vector.broadcast %broadcast_in_dim3A_31 : f32 to vector<16xf32>
    %swap3A_33 = arith.constant 80 : index
    %swap3A_34 = tpu.vector_load %arg6[%swap3A_33] {strides = array<i32>} : memref<128xf32, #tpu.memory_space<vmem>>, vector<16xf32>,
    %swap3A_35 = vector.shape_cast %swap3A_34 : vector<16xf32> to vector<16xf32>
    %swap3A_36 = vector.shape_cast %broadcast_in_dim3A_32 : vector<16xf32> to vector<16xf32>
    tpu.vector_store %arg6[%swap3A_33], %swap3A_36 {strides = array<i32>} : memref<128xf32, #tpu.memory_space<vmem>>, vector<16xf32>,
    %broadcast_in_dim3A_37 = arith.constant 1.000000e+00 : f32
    %broadcast_in_dim3A_38 = vector.broadcast %broadcast_in_dim3A_37 : f32 to vector<16xf32>
    %swap3A_39 = arith.constant 96 : index
    %swap3A_40 = tpu.vector_load %arg6[%swap3A_39] {strides = array<i32>} : memref<128xf32, #tpu.memory_space<vmem>>, vector<16xf32>,
    %swap3A_41 = vector.shape_cast %swap3A_40 : vector<16xf32> to vector<16xf32>
    %swap3A_42 = vector.shape_cast %broadcast_in_dim3A_38 : vector<16xf32> to vector<16xf32>
    tpu.vector_store %arg6[%swap3A_39], %swap3A_42 {strides = array<i32>} : memref<128xf32, #tpu.memory_space<vmem>>, vector<16xf32>,
    %broadcast_in_dim3A_43 = arith.constant 1.000000e+00 : f32
    %broadcast_in_dim3A_44 = vector.broadcast %broadcast_in_dim3A_43 : f32 to vector<16xf32>
    %swap3A_45 = arith.constant 112 : index
    %swap3A_46 = tpu.vector_load %arg6[%swap3A_45] {strides = array<i32>} : memref<128xf32, #tpu.memory_space<vmem>>, vector<16xf32>,
    %swap3A_47 = vector.shape_cast %swap3A_46 : vector<16xf32> to vector<16xf32>
    %swap3A_48 = vector.shape_cast %broadcast_in_dim3A_44 : vector<16xf32> to vector<16xf32>
    tpu.vector_store %arg6[%swap3A_45], %swap3A_48 {strides = array<i32>} : memref<128xf32, #tpu.memory_space<vmem>>, vector<16xf32>,
    %broadcast_in_dim3A_49 = arith.constant 0.000000e+00 : f32
    %broadcast_in_dim3A_50 = vector.broadcast %broadcast_in_dim3A_49 : f32 to vector<16xf32>
    %swap3A_51 = arith.constant 0 : index
    %swap3A_52 = tpu.vector_load %arg7[%swap3A_51] {strides = array<i32>} : memref<640xf32, #tpu.memory_space<vmem>>, vector<16xf32>,
    %swap3A_53 = vector.shape_cast %swap3A_52 : vector<16xf32> to vector<16xf32>
    %swap3A_54 = vector.shape_cast %broadcast_in_dim3A_50 : vector<16xf32> to vector<16xf32>
    tpu.vector_store %arg7[%swap3A_51], %swap3A_54 {strides = array<i32>} : memref<640xf32, #tpu.memory_space<vmem>>, vector<16xf32>,
    %broadcast_in_dim3A_55 = arith.constant 0.000000e+00 : f32
    %broadcast_in_dim3A_56 = vector.broadcast %broadcast_in_dim3A_55 : f32 to vector<16xf32>
    %swap3A_57 = arith.constant 16 : index
    %swap3A_58 = tpu.vector_load %arg7[%swap3A_57] {strides = array<i32>} : memref<640xf32, #tpu.memory_space<vmem>>, vector<16xf32>,
    %swap3A_59 = vector.shape_cast %swap3A_58 : vector<16xf32> to vector<16xf32>
    %swap3A_60 = vector.shape_cast %broadcast_in_dim3A_56 : vector<16xf32> to vector<16xf32>
    tpu.vector_store %arg7[%swap3A_57], %swap3A_60 {strides = array<i32>} : memref<640xf32, #tpu.memory_space<vmem>>, vector<16xf32>,
    %broadcast_in_dim3A_61 = arith.constant 0.000000e+00 : f32
    %broadcast_in_dim3A_62 = vector.broadcast %broadcast_in_dim3A_61 : f32 to vector<16xf32>
    %swap3A_63 = arith.constant 32 : index
    %swap3A_64 = tpu.vector_load %arg7[%swap3A_63] {strides = array<i32>} : memref<640xf32, #tpu.memory_space<vmem>>, vector<16xf32>,
    %swap3A_65 = vector.shape_cast %swap3A_64 : vector<16xf32> to vector<16xf32>
    %swap3A_66 = vector.shape_cast %broadcast_in_dim3A_62 : vector<16xf32> to vector<16xf32>
    tpu.vector_store %arg7[%swap3A_63], %swap3A_66 {strides = array<i32>} : memref<640xf32, #tpu.memory_space<vmem>>, vector<16xf32>,
    %broadcast_in_dim3A_67 = arith.constant 0.000000e+00 : f32
    %broadcast_in_dim3A_68 = vector.broadcast %broadcast_in_dim3A_67 : f32 to vector<16xf32>
    %swap3A_69 = arith.constant 48 : index
    %swap3A_70 = tpu.vector_load %arg7[%swap3A_69] {strides = array<i32>} : memref<640xf32, #tpu.memory_space<vmem>>, vector<16xf32>,
    %swap3A_71 = vector.shape_cast %swap3A_70 : vector<16xf32> to vector<16xf32>
    %swap3A_72 = vector.shape_cast %broadcast_in_dim3A_68 : vector<16xf32> to vector<16xf32>
    tpu.vector_store %arg7[%swap3A_69], %swap3A_72 {strides = array<i32>} : memref<640xf32, #tpu.memory_space<vmem>>, vector<16xf32>,
    %broadcast_in_dim3A_73 = arith.constant 0.000000e+00 : f32
    %broadcast_in_dim3A_74 = vector.broadcast %broadcast_in_dim3A_73 : f32 to vector<16xf32>
    %swap3A_75 = arith.constant 64 : index
    %swap3A_76 = tpu.vector_load %arg7[%swap3A_75] {strides = array<i32>} : memref<640xf32, #tpu.memory_space<vmem>>, vector<16xf32>,
    %swap3A_77 = vector.shape_cast %swap3A_76 : vector<16xf32> to vector<16xf32>
    %swap3A_78 = vector.shape_cast %broadcast_in_dim3A_74 : vector<16xf32> to vector<16xf32>
    tpu.vector_store %arg7[%swap3A_75], %swap3A_78 {strides = array<i32>} : memref<640xf32, #tpu.memory_space<vmem>>, vector<16xf32>,
    %broadcast_in_dim3A_79 = arith.constant 0.000000e+00 : f32
    %broadcast_in_dim3A_80 = vector.broadcast %broadcast_in_dim3A_79 : f32 to vector<16xf32>
    %swap3A_81 = arith.constant 80 : index
    %swap3A_82 = tpu.vector_load %arg7[%swap3A_81] {strides = array<i32>} : memref<640xf32, #tpu.memory_space<vmem>>, vector<16xf32>,
    %swap3A_83 = vector.shape_cast %swap3A_82 : vector<16xf32> to vector<16xf32>
    %swap3A_84 = vector.shape_cast %broadcast_in_dim3A_80 : vector<16xf32> to vector<16xf32>
    tpu.vector_store %arg7[%swap3A_81], %swap3A_84 {strides = array<i32>} : memref<640xf32, #tpu.memory_space<vmem>>, vector<16xf32>,
    %broadcast_in_dim3A_85 = arith.constant 0.000000e+00 : f32
    %broadcast_in_dim3A_86 = vector.broadcast %broadcast_in_dim3A_85 : f32 to vector<16xf32>
    %swap3A_87 = arith.constant 96 : index
    %swap3A_88 = tpu.vector_load %arg7[%swap3A_87] {strides = array<i32>} : memref<640xf32, #tpu.memory_space<vmem>>, vector<16xf32>,
    %swap3A_89 = vector.shape_cast %swap3A_88 : vector<16xf32> to vector<16xf32>
    %swap3A_90 = vector.shape_cast %broadcast_in_dim3A_86 : vector<16xf32> to vector<16xf32>
    tpu.vector_store %arg7[%swap3A_87], %swap3A_90 {strides = array<i32>} : memref<640xf32, #tpu.memory_space<vmem>>, vector<16xf32>,
    %broadcast_in_dim3A_91 = arith.constant 0.000000e+00 : f32
    %broadcast_in_dim3A_92 = vector.broadcast %broadcast_in_dim3A_91 : f32 to vector<16xf32>
    %swap3A_93 = arith.constant 112 : index
    %swap3A_94 = tpu.vector_load %arg7[%swap3A_93] {strides = array<i32>} : memref<640xf32, #tpu.memory_space<vmem>>, vector<16xf32>,
    %swap3A_95 = vector.shape_cast %swap3A_94 : vector<16xf32> to vector<16xf32>
    %swap3A_96 = vector.shape_cast %broadcast_in_dim3A_92 : vector<16xf32> to vector<16xf32>
    tpu.vector_store %arg7[%swap3A_93], %swap3A_96 {strides = array<i32>} : memref<640xf32, #tpu.memory_space<vmem>>, vector<16xf32>,
    %broadcast_in_dim3A_97 = arith.constant 0.000000e+00 : f32
    %broadcast_in_dim3A_98 = vector.broadcast %broadcast_in_dim3A_97 : f32 to vector<16xf32>
    %swap3A_99 = arith.constant 128 : index
    %swap3A_100 = tpu.vector_load %arg7[%swap3A_99] {strides = array<i32>} : memref<640xf32, #tpu.memory_space<vmem>>, vector<16xf32>,
    %swap3A_101 = vector.shape_cast %swap3A_100 : vector<16xf32> to vector<16xf32>
    %swap3A_102 = vector.shape_cast %broadcast_in_dim3A_98 : vector<16xf32> to vector<16xf32>
    tpu.vector_store %arg7[%swap3A_99], %swap3A_102 {strides = array<i32>} : memref<640xf32, #tpu.memory_space<vmem>>, vector<16xf32>,
    %broadcast_in_dim3A_103 = arith.constant 0.000000e+00 : f32
    %broadcast_in_dim3A_104 = vector.broadcast %broadcast_in_dim3A_103 : f32 to vector<16xf32>
    %swap3A_105 = arith.constant 144 : index
    %swap3A_106 = tpu.vector_load %arg7[%swap3A_105] {strides = array<i32>} : memref<640xf32, #tpu.memory_space<vmem>>, vector<16xf32>,
    %swap3A_107 = vector.shape_cast %swap3A_106 : vector<16xf32> to vector<16xf32>
    %swap3A_108 = vector.shape_cast %broadcast_in_dim3A_104 : vector<16xf32> to vector<16xf32>
    tpu.vector_store %arg7[%swap3A_105], %swap3A_108 {strides = array<i32>} : memref<640xf32, #tpu.memory_space<vmem>>, vector<16xf32>,
    %broadcast_in_dim3A_109 = arith.constant 0.000000e+00 : f32
    %broadcast_in_dim3A_110 = vector.broadcast %broadcast_in_dim3A_109 : f32 to vector<16xf32>
    %swap3A_111 = arith.constant 160 : index
    %swap3A_112 = tpu.vector_load %arg7[%swap3A_111] {strides = array<i32>} : memref<640xf32, #tpu.memory_space<vmem>>, vector<16xf32>,
    %swap3A_113 = vector.shape_cast %swap3A_112 : vector<16xf32> to vector<16xf32>
    %swap3A_114 = vector.shape_cast %broadcast_in_dim3A_110 : vector<16xf32> to vector<16xf32>
    tpu.vector_store %arg7[%swap3A_111], %swap3A_114 {strides = array<i32>} : memref<640xf32, #tpu.memory_space<vmem>>, vector<16xf32>,
    %broadcast_in_dim3A_115 = arith.constant 0.000000e+00 : f32
    %broadcast_in_dim3A_116 = vector.broadcast %broadcast_in_dim3A_115 : f32 to vector<16xf32>
    %swap3A_117 = arith.constant 176 : index
    %swap3A_118 = tpu.vector_load %arg7[%swap3A_117] {strides = array<i32>} : memref<640xf32, #tpu.memory_space<vmem>>, vector<16xf32>,
    %swap3A_119 = vector.shape_cast %swap3A_118 : vector<16xf32> to vector<16xf32>
    %swap3A_120 = vector.shape_cast %broadcast_in_dim3A_116 : vector<16xf32> to vector<16xf32>
    tpu.vector_store %arg7[%swap3A_117], %swap3A_120 {strides = array<i32>} : memref<640xf32, #tpu.memory_space<vmem>>, vector<16xf32>,
    %broadcast_in_dim3A_121 = arith.constant 0.000000e+00 : f32
    %broadcast_in_dim3A_122 = vector.broadcast %broadcast_in_dim3A_121 : f32 to vector<16xf32>
    %swap3A_123 = arith.constant 192 : index
    %swap3A_124 = tpu.vector_load %arg7[%swap3A_123] {strides = array<i32>} : memref<640xf32, #tpu.memory_space<vmem>>, vector<16xf32>,
    %swap3A_125 = vector.shape_cast %swap3A_124 : vector<16xf32> to vector<16xf32>
    %swap3A_126 = vector.shape_cast %broadcast_in_dim3A_122 : vector<16xf32> to vector<16xf32>
    tpu.vector_store %arg7[%swap3A_123], %swap3A_126 {strides = array<i32>} : memref<640xf32, #tpu.memory_space<vmem>>, vector<16xf32>,
    %broadcast_in_dim3A_127 = arith.constant 0.000000e+00 : f32
    %broadcast_in_dim3A_128 = vector.broadcast %broadcast_in_dim3A_127 : f32 to vector<16xf32>
    %swap3A_129 = arith.constant 208 : index
    %swap3A_130 = tpu.vector_load %arg7[%swap3A_129] {strides = array<i32>} : memref<640xf32, #tpu.memory_space<vmem>>, vector<16xf32>,
    %swap3A_131 = vector.shape_cast %swap3A_130 : vector<16xf32> to vector<16xf32>
    %swap3A_132 = vector.shape_cast %broadcast_in_dim3A_128 : vector<16xf32> to vector<16xf32>
    tpu.vector_store %arg7[%swap3A_129], %swap3A_132 {strides = array<i32>} : memref<640xf32, #tpu.memory_space<vmem>>, vector<16xf32>,
    %broadcast_in_dim3A_133 = arith.constant 0.000000e+00 : f32
    %broadcast_in_dim3A_134 = vector.broadcast %broadcast_in_dim3A_133 : f32 to vector<16xf32>
    %swap3A_135 = arith.constant 224 : index
    %swap3A_136 = tpu.vector_load %arg7[%swap3A_135] {strides = array<i32>} : memref<640xf32, #tpu.memory_space<vmem>>, vector<16xf32>,
    %swap3A_137 = vector.shape_cast %swap3A_136 : vector<16xf32> to vector<16xf32>
    %swap3A_138 = vector.shape_cast %broadcast_in_dim3A_134 : vector<16xf32> to vector<16xf32>
    tpu.vector_store %arg7[%swap3A_135], %swap3A_138 {strides = array<i32>} : memref<640xf32, #tpu.memory_space<vmem>>, vector<16xf32>,
    %broadcast_in_dim3A_139 = arith.constant 0.000000e+00 : f32
    %broadcast_in_dim3A_140 = vector.broadcast %broadcast_in_dim3A_139 : f32 to vector<16xf32>
    %swap3A_141 = arith.constant 240 : index
    %swap3A_142 = tpu.vector_load %arg7[%swap3A_141] {strides = array<i32>} : memref<640xf32, #tpu.memory_space<vmem>>, vector<16xf32>,
    %swap3A_143 = vector.shape_cast %swap3A_142 : vector<16xf32> to vector<16xf32>
    %swap3A_144 = vector.shape_cast %broadcast_in_dim3A_140 : vector<16xf32> to vector<16xf32>
    tpu.vector_store %arg7[%swap3A_141], %swap3A_144 {strides = array<i32>} : memref<640xf32, #tpu.memory_space<vmem>>, vector<16xf32>,
    %broadcast_in_dim3A_145 = arith.constant 0.000000e+00 : f32
    %broadcast_in_dim3A_146 = vector.broadcast %broadcast_in_dim3A_145 : f32 to vector<16xf32>
    %swap3A_147 = arith.constant 256 : index
    %swap3A_148 = tpu.vector_load %arg7[%swap3A_147] {strides = array<i32>} : memref<640xf32, #tpu.memory_space<vmem>>, vector<16xf32>,
    %swap3A_149 = vector.shape_cast %swap3A_148 : vector<16xf32> to vector<16xf32>
    %swap3A_150 = vector.shape_cast %broadcast_in_dim3A_146 : vector<16xf32> to vector<16xf32>
    tpu.vector_store %arg7[%swap3A_147], %swap3A_150 {strides = array<i32>} : memref<640xf32, #tpu.memory_space<vmem>>, vector<16xf32>,
    %broadcast_in_dim3A_151 = arith.constant 0.000000e+00 : f32
    %broadcast_in_dim3A_152 = vector.broadcast %broadcast_in_dim3A_151 : f32 to vector<16xf32>
    %swap3A_153 = arith.constant 272 : index
    %swap3A_154 = tpu.vector_load %arg7[%swap3A_153] {strides = array<i32>} : memref<640xf32, #tpu.memory_space<vmem>>, vector<16xf32>,
    %swap3A_155 = vector.shape_cast %swap3A_154 : vector<16xf32> to vector<16xf32>
    %swap3A_156 = vector.shape_cast %broadcast_in_dim3A_152 : vector<16xf32> to vector<16xf32>
    tpu.vector_store %arg7[%swap3A_153], %swap3A_156 {strides = array<i32>} : memref<640xf32, #tpu.memory_space<vmem>>, vector<16xf32>,
    %broadcast_in_dim3A_157 = arith.constant 0.000000e+00 : f32
    %broadcast_in_dim3A_158 = vector.broadcast %broadcast_in_dim3A_157 : f32 to vector<16xf32>
    %swap3A_159 = arith.constant 288 : index
    %swap3A_160 = tpu.vector_load %arg7[%swap3A_159] {strides = array<i32>} : memref<640xf32, #tpu.memory_space<vmem>>, vector<16xf32>,
    %swap3A_161 = vector.shape_cast %swap3A_160 : vector<16xf32> to vector<16xf32>
    %swap3A_162 = vector.shape_cast %broadcast_in_dim3A_158 : vector<16xf32> to vector<16xf32>
    tpu.vector_store %arg7[%swap3A_159], %swap3A_162 {strides = array<i32>} : memref<640xf32, #tpu.memory_space<vmem>>, vector<16xf32>,
    %broadcast_in_dim3A_163 = arith.constant 0.000000e+00 : f32
    %broadcast_in_dim3A_164 = vector.broadcast %broadcast_in_dim3A_163 : f32 to vector<16xf32>
    %swap3A_165 = arith.constant 304 : index
    %swap3A_166 = tpu.vector_load %arg7[%swap3A_165] {strides = array<i32>} : memref<640xf32, #tpu.memory_space<vmem>>, vector<16xf32>,
    %swap3A_167 = vector.shape_cast %swap3A_166 : vector<16xf32> to vector<16xf32>
    %swap3A_168 = vector.shape_cast %broadcast_in_dim3A_164 : vector<16xf32> to vector<16xf32>
    tpu.vector_store %arg7[%swap3A_165], %swap3A_168 {strides = array<i32>} : memref<640xf32, #tpu.memory_space<vmem>>, vector<16xf32>,
    %broadcast_in_dim3A_169 = arith.constant 0.000000e+00 : f32
    %broadcast_in_dim3A_170 = vector.broadcast %broadcast_in_dim3A_169 : f32 to vector<16xf32>
    %swap3A_171 = arith.constant 320 : index
    %swap3A_172 = tpu.vector_load %arg7[%swap3A_171] {strides = array<i32>} : memref<640xf32, #tpu.memory_space<vmem>>, vector<16xf32>,
    %swap3A_173 = vector.shape_cast %swap3A_172 : vector<16xf32> to vector<16xf32>
    %swap3A_174 = vector.shape_cast %broadcast_in_dim3A_170 : vector<16xf32> to vector<16xf32>
    tpu.vector_store %arg7[%swap3A_171], %swap3A_174 {strides = array<i32>} : memref<640xf32, #tpu.memory_space<vmem>>, vector<16xf32>,
    %broadcast_in_dim3A_175 = arith.constant 0.000000e+00 : f32
    %broadcast_in_dim3A_176 = vector.broadcast %broadcast_in_dim3A_175 : f32 to vector<16xf32>
    %swap3A_177 = arith.constant 336 : index
    %swap3A_178 = tpu.vector_load %arg7[%swap3A_177] {strides = array<i32>} : memref<640xf32, #tpu.memory_space<vmem>>, vector<16xf32>,
    %swap3A_179 = vector.shape_cast %swap3A_178 : vector<16xf32> to vector<16xf32>
    %swap3A_180 = vector.shape_cast %broadcast_in_dim3A_176 : vector<16xf32> to vector<16xf32>
    tpu.vector_store %arg7[%swap3A_177], %swap3A_180 {strides = array<i32>} : memref<640xf32, #tpu.memory_space<vmem>>, vector<16xf32>,
    %broadcast_in_dim3A_181 = arith.constant 0.000000e+00 : f32
    %broadcast_in_dim3A_182 = vector.broadcast %broadcast_in_dim3A_181 : f32 to vector<16xf32>
    %swap3A_183 = arith.constant 352 : index
    %swap3A_184 = tpu.vector_load %arg7[%swap3A_183] {strides = array<i32>} : memref<640xf32, #tpu.memory_space<vmem>>, vector<16xf32>,
    %swap3A_185 = vector.shape_cast %swap3A_184 : vector<16xf32> to vector<16xf32>
    %swap3A_186 = vector.shape_cast %broadcast_in_dim3A_182 : vector<16xf32> to vector<16xf32>
    tpu.vector_store %arg7[%swap3A_183], %swap3A_186 {strides = array<i32>} : memref<640xf32, #tpu.memory_space<vmem>>, vector<16xf32>,
    %broadcast_in_dim3A_187 = arith.constant 0.000000e+00 : f32
    %broadcast_in_dim3A_188 = vector.broadcast %broadcast_in_dim3A_187 : f32 to vector<16xf32>
    %swap3A_189 = arith.constant 368 : index
    %swap3A_190 = tpu.vector_load %arg7[%swap3A_189] {strides = array<i32>} : memref<640xf32, #tpu.memory_space<vmem>>, vector<16xf32>,
    %swap3A_191 = vector.shape_cast %swap3A_190 : vector<16xf32> to vector<16xf32>
    %swap3A_192 = vector.shape_cast %broadcast_in_dim3A_188 : vector<16xf32> to vector<16xf32>
    tpu.vector_store %arg7[%swap3A_189], %swap3A_192 {strides = array<i32>} : memref<640xf32, #tpu.memory_space<vmem>>, vector<16xf32>,
    %broadcast_in_dim3A_193 = arith.constant 0.000000e+00 : f32
    %broadcast_in_dim3A_194 = vector.broadcast %broadcast_in_dim3A_193 : f32 to vector<16xf32>
    %swap3A_195 = arith.constant 384 : index
    %swap3A_196 = tpu.vector_load %arg7[%swap3A_195] {strides = array<i32>} : memref<640xf32, #tpu.memory_space<vmem>>, vector<16xf32>,
    %swap3A_197 = vector.shape_cast %swap3A_196 : vector<16xf32> to vector<16xf32>
    %swap3A_198 = vector.shape_cast %broadcast_in_dim3A_194 : vector<16xf32> to vector<16xf32>
    tpu.vector_store %arg7[%swap3A_195], %swap3A_198 {strides = array<i32>} : memref<640xf32, #tpu.memory_space<vmem>>, vector<16xf32>,
    %broadcast_in_dim3A_199 = arith.constant 0.000000e+00 : f32
    %broadcast_in_dim3A_200 = vector.broadcast %broadcast_in_dim3A_199 : f32 to vector<16xf32>
    %swap3A_201 = arith.constant 400 : index
    %swap3A_202 = tpu.vector_load %arg7[%swap3A_201] {strides = array<i32>} : memref<640xf32, #tpu.memory_space<vmem>>, vector<16xf32>,
    %swap3A_203 = vector.shape_cast %swap3A_202 : vector<16xf32> to vector<16xf32>
    %swap3A_204 = vector.shape_cast %broadcast_in_dim3A_200 : vector<16xf32> to vector<16xf32>
    tpu.vector_store %arg7[%swap3A_201], %swap3A_204 {strides = array<i32>} : memref<640xf32, #tpu.memory_space<vmem>>, vector<16xf32>,
    %broadcast_in_dim3A_205 = arith.constant 0.000000e+00 : f32
    %broadcast_in_dim3A_206 = vector.broadcast %broadcast_in_dim3A_205 : f32 to vector<16xf32>
    %swap3A_207 = arith.constant 416 : index
    %swap3A_208 = tpu.vector_load %arg7[%swap3A_207] {strides = array<i32>} : memref<640xf32, #tpu.memory_space<vmem>>, vector<16xf32>,
    %swap3A_209 = vector.shape_cast %swap3A_208 : vector<16xf32> to vector<16xf32>
    %swap3A_210 = vector.shape_cast %broadcast_in_dim3A_206 : vector<16xf32> to vector<16xf32>
    tpu.vector_store %arg7[%swap3A_207], %swap3A_210 {strides = array<i32>} : memref<640xf32, #tpu.memory_space<vmem>>, vector<16xf32>,
    %broadcast_in_dim3A_211 = arith.constant 0.000000e+00 : f32
    %broadcast_in_dim3A_212 = vector.broadcast %broadcast_in_dim3A_211 : f32 to vector<16xf32>
    %swap3A_213 = arith.constant 432 : index
    %swap3A_214 = tpu.vector_load %arg7[%swap3A_213] {strides = array<i32>} : memref<640xf32, #tpu.memory_space<vmem>>, vector<16xf32>,
    %swap3A_215 = vector.shape_cast %swap3A_214 : vector<16xf32> to vector<16xf32>
    %swap3A_216 = vector.shape_cast %broadcast_in_dim3A_212 : vector<16xf32> to vector<16xf32>
    tpu.vector_store %arg7[%swap3A_213], %swap3A_216 {strides = array<i32>} : memref<640xf32, #tpu.memory_space<vmem>>, vector<16xf32>,
    %broadcast_in_dim3A_217 = arith.constant 0.000000e+00 : f32
    %broadcast_in_dim3A_218 = vector.broadcast %broadcast_in_dim3A_217 : f32 to vector<16xf32>
    %swap3A_219 = arith.constant 448 : index
    %swap3A_220 = tpu.vector_load %arg7[%swap3A_219] {strides = array<i32>} : memref<640xf32, #tpu.memory_space<vmem>>, vector<16xf32>,
    %swap3A_221 = vector.shape_cast %swap3A_220 : vector<16xf32> to vector<16xf32>
    %swap3A_222 = vector.shape_cast %broadcast_in_dim3A_218 : vector<16xf32> to vector<16xf32>
    tpu.vector_store %arg7[%swap3A_219], %swap3A_222 {strides = array<i32>} : memref<640xf32, #tpu.memory_space<vmem>>, vector<16xf32>,
    %broadcast_in_dim3A_223 = arith.constant 0.000000e+00 : f32
    %broadcast_in_dim3A_224 = vector.broadcast %broadcast_in_dim3A_223 : f32 to vector<16xf32>
    %swap3A_225 = arith.constant 464 : index
    %swap3A_226 = tpu.vector_load %arg7[%swap3A_225] {strides = array<i32>} : memref<640xf32, #tpu.memory_space<vmem>>, vector<16xf32>,
    %swap3A_227 = vector.shape_cast %swap3A_226 : vector<16xf32> to vector<16xf32>
    %swap3A_228 = vector.shape_cast %broadcast_in_dim3A_224 : vector<16xf32> to vector<16xf32>
    tpu.vector_store %arg7[%swap3A_225], %swap3A_228 {strides = array<i32>} : memref<640xf32, #tpu.memory_space<vmem>>, vector<16xf32>,
    %broadcast_in_dim3A_229 = arith.constant 0.000000e+00 : f32
    %broadcast_in_dim3A_230 = vector.broadcast %broadcast_in_dim3A_229 : f32 to vector<16xf32>
    %swap3A_231 = arith.constant 480 : index
    %swap3A_232 = tpu.vector_load %arg7[%swap3A_231] {strides = array<i32>} : memref<640xf32, #tpu.memory_space<vmem>>, vector<16xf32>,
    %swap3A_233 = vector.shape_cast %swap3A_232 : vector<16xf32> to vector<16xf32>
    %swap3A_234 = vector.shape_cast %broadcast_in_dim3A_230 : vector<16xf32> to vector<16xf32>
    tpu.vector_store %arg7[%swap3A_231], %swap3A_234 {strides = array<i32>} : memref<640xf32, #tpu.memory_space<vmem>>, vector<16xf32>,
    %broadcast_in_dim3A_235 = arith.constant 0.000000e+00 : f32
    %broadcast_in_dim3A_236 = vector.broadcast %broadcast_in_dim3A_235 : f32 to vector<16xf32>
    %swap3A_237 = arith.constant 496 : index
    %swap3A_238 = tpu.vector_load %arg7[%swap3A_237] {strides = array<i32>} : memref<640xf32, #tpu.memory_space<vmem>>, vector<16xf32>,
    %swap3A_239 = vector.shape_cast %swap3A_238 : vector<16xf32> to vector<16xf32>
    %swap3A_240 = vector.shape_cast %broadcast_in_dim3A_236 : vector<16xf32> to vector<16xf32>
    tpu.vector_store %arg7[%swap3A_237], %swap3A_240 {strides = array<i32>} : memref<640xf32, #tpu.memory_space<vmem>>, vector<16xf32>,
    %broadcast_in_dim3A_241 = arith.constant 0.000000e+00 : f32
    %broadcast_in_dim3A_242 = vector.broadcast %broadcast_in_dim3A_241 : f32 to vector<16xf32>
    %swap3A_243 = arith.constant 512 : index
    %swap3A_244 = tpu.vector_load %arg7[%swap3A_243] {strides = array<i32>} : memref<640xf32, #tpu.memory_space<vmem>>, vector<16xf32>,
    %swap3A_245 = vector.shape_cast %swap3A_244 : vector<16xf32> to vector<16xf32>
    %swap3A_246 = vector.shape_cast %broadcast_in_dim3A_242 : vector<16xf32> to vector<16xf32>
    tpu.vector_store %arg7[%swap3A_243], %swap3A_246 {strides = array<i32>} : memref<640xf32, #tpu.memory_space<vmem>>, vector<16xf32>,
    %broadcast_in_dim3A_247 = arith.constant 0.000000e+00 : f32
    %broadcast_in_dim3A_248 = vector.broadcast %broadcast_in_dim3A_247 : f32 to vector<16xf32>
    %swap3A_249 = arith.constant 528 : index
    %swap3A_250 = tpu.vector_load %arg7[%swap3A_249] {strides = array<i32>} : memref<640xf32, #tpu.memory_space<vmem>>, vector<16xf32>,
    %swap3A_251 = vector.shape_cast %swap3A_250 : vector<16xf32> to vector<16xf32>
    %swap3A_252 = vector.shape_cast %broadcast_in_dim3A_248 : vector<16xf32> to vector<16xf32>
    tpu.vector_store %arg7[%swap3A_249], %swap3A_252 {strides = array<i32>} : memref<640xf32, #tpu.memory_space<vmem>>, vector<16xf32>,
    %broadcast_in_dim3A_253 = arith.constant 0.000000e+00 : f32
    %broadcast_in_dim3A_254 = vector.broadcast %broadcast_in_dim3A_253 : f32 to vector<16xf32>
    %swap3A_255 = arith.constant 544 : index
    %swap3A_256 = tpu.vector_load %arg7[%swap3A_255] {strides = array<i32>} : memref<640xf32, #tpu.memory_space<vmem>>, vector<16xf32>,
    %swap3A_257 = vector.shape_cast %swap3A_256 : vector<16xf32> to vector<16xf32>
    %swap3A_258 = vector.shape_cast %broadcast_in_dim3A_254 : vector<16xf32> to vector<16xf32>
    tpu.vector_store %arg7[%swap3A_255], %swap3A_258 {strides = array<i32>} : memref<640xf32, #tpu.memory_space<vmem>>, vector<16xf32>,
    %broadcast_in_dim3A_259 = arith.constant 0.000000e+00 : f32
    %broadcast_in_dim3A_260 = vector.broadcast %broadcast_in_dim3A_259 : f32 to vector<16xf32>
    %swap3A_261 = arith.constant 560 : index
    %swap3A_262 = tpu.vector_load %arg7[%swap3A_261] {strides = array<i32>} : memref<640xf32, #tpu.memory_space<vmem>>, vector<16xf32>,
    %swap3A_263 = vector.shape_cast %swap3A_262 : vector<16xf32> to vector<16xf32>
    %swap3A_264 = vector.shape_cast %broadcast_in_dim3A_260 : vector<16xf32> to vector<16xf32>
    tpu.vector_store %arg7[%swap3A_261], %swap3A_264 {strides = array<i32>} : memref<640xf32, #tpu.memory_space<vmem>>, vector<16xf32>,
    %broadcast_in_dim3A_265 = arith.constant 0.000000e+00 : f32
    %broadcast_in_dim3A_266 = vector.broadcast %broadcast_in_dim3A_265 : f32 to vector<16xf32>
    %swap3A_267 = arith.constant 576 : index
    %swap3A_268 = tpu.vector_load %arg7[%swap3A_267] {strides = array<i32>} : memref<640xf32, #tpu.memory_space<vmem>>, vector<16xf32>,
    %swap3A_269 = vector.shape_cast %swap3A_268 : vector<16xf32> to vector<16xf32>
    %swap3A_270 = vector.shape_cast %broadcast_in_dim3A_266 : vector<16xf32> to vector<16xf32>
    tpu.vector_store %arg7[%swap3A_267], %swap3A_270 {strides = array<i32>} : memref<640xf32, #tpu.memory_space<vmem>>, vector<16xf32>,
    %broadcast_in_dim3A_271 = arith.constant 0.000000e+00 : f32
    %broadcast_in_dim3A_272 = vector.broadcast %broadcast_in_dim3A_271 : f32 to vector<16xf32>
    %swap3A_273 = arith.constant 592 : index
    %swap3A_274 = tpu.vector_load %arg7[%swap3A_273] {strides = array<i32>} : memref<640xf32, #tpu.memory_space<vmem>>, vector<16xf32>,
    %swap3A_275 = vector.shape_cast %swap3A_274 : vector<16xf32> to vector<16xf32>
    %swap3A_276 = vector.shape_cast %broadcast_in_dim3A_272 : vector<16xf32> to vector<16xf32>
    tpu.vector_store %arg7[%swap3A_273], %swap3A_276 {strides = array<i32>} : memref<640xf32, #tpu.memory_space<vmem>>, vector<16xf32>,
    %broadcast_in_dim3A_277 = arith.constant 0.000000e+00 : f32
    %broadcast_in_dim3A_278 = vector.broadcast %broadcast_in_dim3A_277 : f32 to vector<16xf32>
    %swap3A_279 = arith.constant 608 : index
    %swap3A_280 = tpu.vector_load %arg7[%swap3A_279] {strides = array<i32>} : memref<640xf32, #tpu.memory_space<vmem>>, vector<16xf32>,
    %swap3A_281 = vector.shape_cast %swap3A_280 : vector<16xf32> to vector<16xf32>
    %swap3A_282 = vector.shape_cast %broadcast_in_dim3A_278 : vector<16xf32> to vector<16xf32>
    tpu.vector_store %arg7[%swap3A_279], %swap3A_282 {strides = array<i32>} : memref<640xf32, #tpu.memory_space<vmem>>, vector<16xf32>,
    %broadcast_in_dim3A_283 = arith.constant 0.000000e+00 : f32
    %broadcast_in_dim3A_284 = vector.broadcast %broadcast_in_dim3A_283 : f32 to vector<16xf32>
    %swap3A_285 = arith.constant 624 : index
    %swap3A_286 = tpu.vector_load %arg7[%swap3A_285] {strides = array<i32>} : memref<640xf32, #tpu.memory_space<vmem>>, vector<16xf32>,
    %swap3A_287 = vector.shape_cast %swap3A_286 : vector<16xf32> to vector<16xf32>
    %swap3A_288 = vector.shape_cast %broadcast_in_dim3A_284 : vector<16xf32> to vector<16xf32>
    tpu.vector_store %arg7[%swap3A_285], %swap3A_288 {strides = array<i32>} : memref<640xf32, #tpu.memory_space<vmem>>, vector<16xf32>,
    "tpu.region"() ({
      %run_scoped3A = tpu.sem_alloc : memref<!tpu.dma_semaphore, #tpu.memory_space<semaphore_mem>>
      %dma_start3A = arith.constant 0 : i32
      %dma_start3A_299 = tpu.memref_slice %arg7[%dma_start3A] : memref<640xf32, #tpu.memory_space<vmem>> -> memref<632xf32, #tpu.memory_space<vmem>>
      %dma_start3A_300 = tpu.memref_slice %arg4[%mul3A_2] : memref<10112xf32, #tpu.memory_space<vmem_shared>> -> memref<632xf32, #tpu.memory_space<vmem_shared>>
      %dma_start3A_301 = tpu.memref_slice %arg4[%mul3A_2] : memref<10112xf32, #tpu.memory_space<vmem_shared>> -> memref<632xf32, #tpu.memory_space<vmem_shared>>
      %dma_start3A_302 = arith.constant 0 : i32
      %dma_start3A_303 = tpu.memref_slice %arg7[%dma_start3A_302] : memref<640xf32, #tpu.memory_space<vmem>> -> memref<632xf32, #tpu.memory_space<vmem>>
      tpu.enqueue_dma source(%dma_start3A_303 : memref<632xf32, #tpu.memory_space<vmem>>) target(%dma_start3A_301 : memref<632xf32, #tpu.memory_space<vmem_shared>>) target_semaphore(%run_scoped3A : memref<!tpu.dma_semaphore, #tpu.memory_space<semaphore_mem>>)
      %dma_wait3A = arith.constant 0 : i32
      %dma_wait3A_304 = tpu.memref_slice %arg7[%dma_wait3A] : memref<640xf32, #tpu.memory_space<vmem>> -> memref<632xf32, #tpu.memory_space<vmem>>
      %dma_wait3A_305 = tpu.memref_slice %arg4[%mul3A_2] : memref<10112xf32, #tpu.memory_space<vmem_shared>> -> memref<632xf32, #tpu.memory_space<vmem_shared>>
      %dma_wait3A_306 = tpu.memref_slice %arg4[%mul3A_2] : memref<10112xf32, #tpu.memory_space<vmem_shared>> -> memref<632xf32, #tpu.memory_space<vmem_shared>>
      %dma_wait3A_307 = arith.constant 0 : i32
      %dma_wait3A_308 = tpu.memref_slice %arg7[%dma_wait3A_307] : memref<640xf32, #tpu.memory_space<vmem>> -> memref<632xf32, #tpu.memory_space<vmem>>
      tpu.wait_dma2 semaphore(%run_scoped3A : memref<!tpu.dma_semaphore, #tpu.memory_space<semaphore_mem>>) src(%dma_wait3A_308 : memref<632xf32, #tpu.memory_space<vmem>>) dst(%dma_wait3A_306 : memref<632xf32, #tpu.memory_space<vmem_shared>>)
      tpu.yield
    }) : () -> ()
    %mul3A_289 = arith.constant 80 : i32
    %mul3A_290 = arith.muli %add3A, %mul3A_289 : i32
    "tpu.region"() ({
      %run_scoped3A = tpu.sem_alloc : memref<!tpu.dma_semaphore, #tpu.memory_space<semaphore_mem>>
      %dma_start3A = arith.constant 0 : i32
      %dma_start3A_299 = tpu.memref_slice %arg2[%mul3A_290, %dma_start3A] : memref<2560x128xi32, #tpu.memory_space<hbm>> -> memref<80x128xi32, #tpu.memory_space<hbm>>
      %dma_start3A_300 = arith.constant 0 : i32
      %dma_start3A_301 = tpu.memref_slice %arg2[%mul3A_290, %dma_start3A_300] : memref<2560x128xi32, #tpu.memory_space<hbm>> -> memref<80x128xi32, #tpu.memory_space<hbm>>
      tpu.enqueue_dma source(%dma_start3A_301 : memref<80x128xi32, #tpu.memory_space<hbm>>) target(%arg5 : memref<80x128xi32, #tpu.memory_space<vmem>>) target_semaphore(%run_scoped3A : memref<!tpu.dma_semaphore, #tpu.memory_space<semaphore_mem>>)
      %dma_wait3A = arith.constant 0 : i32
      %dma_wait3A_302 = tpu.memref_slice %arg2[%mul3A_290, %dma_wait3A] : memref<2560x128xi32, #tpu.memory_space<hbm>> -> memref<80x128xi32, #tpu.memory_space<hbm>>
      %dma_wait3A_303 = arith.constant 0 : i32
      %dma_wait3A_304 = tpu.memref_slice %arg2[%mul3A_290, %dma_wait3A_303] : memref<2560x128xi32, #tpu.memory_space<hbm>> -> memref<80x128xi32, #tpu.memory_space<hbm>>
      tpu.wait_dma2 semaphore(%run_scoped3A : memref<!tpu.dma_semaphore, #tpu.memory_space<semaphore_mem>>) src(%dma_wait3A_304 : memref<80x128xi32, #tpu.memory_space<hbm>>) dst(%arg5 : memref<80x128xi32, #tpu.memory_space<vmem>>)
      tpu.yield
    }) : () -> ()
    %barrier3A = arith.constant 0 : index
    tpu.barrier barrier_id(%barrier3A)
    %scan3A = arith.constant 0 : i32
    %scan3A_291 = arith.constant 80 : i32
    %scan3A_292 = arith.addi %scan3A, %scan3A_291 : i32
    %scan3A_293 = arith.constant 1 : i32
    scf.for %scan3A_299 = %scan3A to %scan3A_292 step %scan3A_293  : i32 {
      %mul3A_300 = arith.constant 1 : i32
      %mul3A_301 = arith.muli %scan3A_299, %mul3A_300 : i32
      %add3A_302 = arith.constant 0 : i32
      %add3A_303 = arith.addi %add3A_302, %mul3A_301 : i32
      "tpu.region"() ({
        %run_scoped3A = tpu.sem_alloc : memref<!tpu.dma_semaphore, #tpu.memory_space<semaphore_mem>>
        %dma_start3A = arith.constant 0 : i32
        %dma_start3A_304 = tpu.memref_slice %arg5[%add3A_303, %dma_start3A] : memref<80x128xi32, #tpu.memory_space<vmem>> -> memref<1x128xi32, #tpu.memory_space<vmem>>
        %dma_start3A_305 = tpu.memref_squeeze %dma_start3A_304 : memref<1x128xi32, #tpu.memory_space<vmem>> -> memref<128xi32, #tpu.memory_space<vmem>>
        %dma_start3A_306 = arith.constant 0 : i32
        %dma_start3A_307 = tpu.memref_slice %arg4[%dma_start3A_306] : memref<10112xf32, #tpu.memory_space<vmem_shared>> -> memref<10112xf32, #tpu.memory_space<vmem_shared>>
        tpu.enqueue_indirect_dma source(%arg6 : memref<128xf32, #tpu.memory_space<vmem>>) target(%dma_start3A_307 : memref<10112xf32, #tpu.memory_space<vmem_shared>>) offsets(%dma_start3A_305 : memref<128xi32, #tpu.memory_space<vmem>>) semaphore(%run_scoped3A : memref<!tpu.dma_semaphore, #tpu.memory_space<semaphore_mem>>) {add = true}
        %dma_wait3A = arith.constant 0 : i32
        %dma_wait3A_308 = tpu.memref_slice %arg5[%add3A_303, %dma_wait3A] : memref<80x128xi32, #tpu.memory_space<vmem>> -> memref<1x128xi32, #tpu.memory_space<vmem>>
        %dma_wait3A_309 = tpu.memref_squeeze %dma_wait3A_308 : memref<1x128xi32, #tpu.memory_space<vmem>> -> memref<128xi32, #tpu.memory_space<vmem>>
        %dma_wait3A_310 = arith.constant 0 : i32
        %dma_wait3A_311 = tpu.memref_slice %arg4[%dma_wait3A_310] : memref<10112xf32, #tpu.memory_space<vmem_shared>> -> memref<10112xf32, #tpu.memory_space<vmem_shared>>
        tpu.wait_indirect_dma semaphore(%run_scoped3A : memref<!tpu.dma_semaphore, #tpu.memory_space<semaphore_mem>>) src(%arg6 : memref<128xf32, #tpu.memory_space<vmem>>) dst(%dma_wait3A_311 : memref<10112xf32, #tpu.memory_space<vmem_shared>>)
        tpu.yield
      }) : () -> ()
    }
    %scan3A_294 = arith.constant 80 : i32
    %barrier3A_295 = arith.constant 0 : index
    tpu.barrier barrier_id(%barrier3A_295)
    "tpu.region"() ({
      %run_scoped3A = tpu.sem_alloc : memref<!tpu.dma_semaphore, #tpu.memory_space<semaphore_mem>>
      %dma_start3A = arith.constant 0 : i32
      %dma_start3A_299 = tpu.memref_slice %arg7[%dma_start3A] : memref<640xf32, #tpu.memory_space<vmem>> -> memref<632xf32, #tpu.memory_space<vmem>>
      %dma_start3A_300 = tpu.memref_slice %arg4[%mul3A_2] : memref<10112xf32, #tpu.memory_space<vmem_shared>> -> memref<632xf32, #tpu.memory_space<vmem_shared>>
      %dma_start3A_301 = arith.constant 0 : i32
      %dma_start3A_302 = tpu.memref_slice %arg7[%dma_start3A_301] : memref<640xf32, #tpu.memory_space<vmem>> -> memref<632xf32, #tpu.memory_space<vmem>>
      %dma_start3A_303 = tpu.memref_slice %arg4[%mul3A_2] : memref<10112xf32, #tpu.memory_space<vmem_shared>> -> memref<632xf32, #tpu.memory_space<vmem_shared>>
      tpu.enqueue_dma source(%dma_start3A_303 : memref<632xf32, #tpu.memory_space<vmem_shared>>) target(%dma_start3A_302 : memref<632xf32, #tpu.memory_space<vmem>>) target_semaphore(%run_scoped3A : memref<!tpu.dma_semaphore, #tpu.memory_space<semaphore_mem>>)
      %dma_wait3A = arith.constant 0 : i32
      %dma_wait3A_304 = tpu.memref_slice %arg7[%dma_wait3A] : memref<640xf32, #tpu.memory_space<vmem>> -> memref<632xf32, #tpu.memory_space<vmem>>
      %dma_wait3A_305 = tpu.memref_slice %arg4[%mul3A_2] : memref<10112xf32, #tpu.memory_space<vmem_shared>> -> memref<632xf32, #tpu.memory_space<vmem_shared>>
      %dma_wait3A_306 = arith.constant 0 : i32
      %dma_wait3A_307 = tpu.memref_slice %arg7[%dma_wait3A_306] : memref<640xf32, #tpu.memory_space<vmem>> -> memref<632xf32, #tpu.memory_space<vmem>>
      %dma_wait3A_308 = tpu.memref_slice %arg4[%mul3A_2] : memref<10112xf32, #tpu.memory_space<vmem_shared>> -> memref<632xf32, #tpu.memory_space<vmem_shared>>
      tpu.wait_dma2 semaphore(%run_scoped3A : memref<!tpu.dma_semaphore, #tpu.memory_space<semaphore_mem>>) src(%dma_wait3A_308 : memref<632xf32, #tpu.memory_space<vmem_shared>>) dst(%dma_wait3A_307 : memref<632xf32, #tpu.memory_space<vmem>>)
      tpu.yield
    }) : () -> ()
    %mul3A_296 = arith.constant 10112 : i32
    %mul3A_297 = arith.muli %arg0, %mul3A_296 : i32
    %add3A_298 = arith.addi %mul3A_297, %mul3A_2 : i32
    "tpu.region"() ({
      %run_scoped3A = tpu.sem_alloc : memref<!tpu.dma_semaphore, #tpu.memory_space<semaphore_mem>>
      %dma_start3A = arith.constant 0 : i32
      %dma_start3A_299 = tpu.memref_slice %arg7[%dma_start3A] : memref<640xf32, #tpu.memory_space<vmem>> -> memref<632xf32, #tpu.memory_space<vmem>>
      %dma_start3A_300 = tpu.memref_slice %arg3[%add3A_298] : memref<20224xf32, #tpu.memory_space<hbm>> -> memref<632xf32, #tpu.memory_space<hbm>>
      %dma_start3A_301 = tpu.memref_slice %arg3[%add3A_298] : memref<20224xf32, #tpu.memory_space<hbm>> -> memref<632xf32, #tpu.memory_space<hbm>>
      %dma_start3A_302 = arith.constant 0 : i32
      %dma_start3A_303 = tpu.memref_slice %arg7[%dma_start3A_302] : memref<640xf32, #tpu.memory_space<vmem>> -> memref<632xf32, #tpu.memory_space<vmem>>
      tpu.enqueue_dma source(%dma_start3A_303 : memref<632xf32, #tpu.memory_space<vmem>>) target(%dma_start3A_301 : memref<632xf32, #tpu.memory_space<hbm>>) target_semaphore(%run_scoped3A : memref<!tpu.dma_semaphore, #tpu.memory_space<semaphore_mem>>)
      %dma_wait3A = arith.constant 0 : i32
      %dma_wait3A_304 = tpu.memref_slice %arg7[%dma_wait3A] : memref<640xf32, #tpu.memory_space<vmem>> -> memref<632xf32, #tpu.memory_space<vmem>>
      %dma_wait3A_305 = tpu.memref_slice %arg3[%add3A_298] : memref<20224xf32, #tpu.memory_space<hbm>> -> memref<632xf32, #tpu.memory_space<hbm>>
      %dma_wait3A_306 = tpu.memref_slice %arg3[%add3A_298] : memref<20224xf32, #tpu.memory_space<hbm>> -> memref<632xf32, #tpu.memory_space<hbm>>
      %dma_wait3A_307 = arith.constant 0 : i32
      %dma_wait3A_308 = tpu.memref_slice %arg7[%dma_wait3A_307] : memref<640xf32, #tpu.memory_space<vmem>> -> memref<632xf32, #tpu.memory_space<vmem>>
      tpu.wait_dma2 semaphore(%run_scoped3A : memref<!tpu.dma_semaphore, #tpu.memory_space<semaphore_mem>>) src(%dma_wait3A_308 : memref<632xf32, #tpu.memory_space<vmem>>) dst(%dma_wait3A_306 : memref<632xf32, #tpu.memory_space<hbm>>)
      tpu.yield
    }) : () -> ()
    return
  }
}

module attributes {stable_mosaic.version = 14 : i64} {
  func.func @_y_body(%arg0: i32, %arg1: memref<1000x128xf32, #tpu.memory_space<vmem>>, %arg2: memref<128x128xf32, #tpu.memory_space<vmem>>, %arg3: memref<1000x1xf32, #tpu.memory_space<vmem>>, %arg4: memref<1000x1xf32, #tpu.memory_space<vmem>>, %arg5: memref<1000x128xf32, #tpu.memory_space<vmem>>) attributes {dimension_semantics = [#tpu.dimension_semantics<arbitrary>], iteration_bounds = array<i64: 10>, scalar_prefetch = 0 : i64, scratch_operands = 0 : i64, tpu.core_type = #tpu.core_type<tc>, window_params = [{transform_indices = @transform_0, window_bounds = array<i64: 1000, 128>}, {pipeline_mode = #tpu.pipeline_mode<synchronous>, transform_indices = @transform_1, window_bounds = array<i64: 128, 128>}, {transform_indices = @transform_2, window_bounds = array<i64: 1000, 1>}, {transform_indices = @transform_3, window_bounds = array<i64: 1000, 1>}, {transform_indices = @transform_4, window_bounds = array<i64: 1000, 128>}]} {
    %get3A = arith.constant 0 : index
    %get3A_0 = arith.constant 0 : index
    %get3A_1 = vector.load %arg3[%get3A, %get3A_0] : memref<1000x1xf32, #tpu.memory_space<vmem>>, vector<1000x1xf32>
    %get3A_2 = arith.constant 0 : index
    %get3A_3 = arith.constant 0 : index
    %get3A_4 = vector.load %arg4[%get3A_2, %get3A_3] : memref<1000x1xf32, #tpu.memory_space<vmem>>, vector<1000x1xf32>
    %add3A = arith.addf %get3A_1, %get3A_4 : vector<1000x1xf32>
    %add3A_5 = arith.constant 1.000000e+00 : f32
    %add3A_6 = vector.broadcast %add3A_5 : f32 to vector<1000x1xf32>
    %add3A_7 = arith.addf %add3A, %add3A_6 : vector<1000x1xf32>
    %rsqrt3A = math.rsqrt %add3A_7 : vector<1000x1xf32>
    %get3A_8 = arith.constant 0 : index
    %get3A_9 = arith.constant 0 : index
    %get3A_10 = vector.load %arg1[%get3A_8, %get3A_9] : memref<1000x128xf32, #tpu.memory_space<vmem>>, vector<1000x128xf32>
    %get3A_11 = arith.constant 0 : index
    %get3A_12 = arith.constant 0 : index
    %get3A_13 = vector.load %arg2[%get3A_11, %get3A_12] : memref<128x128xf32, #tpu.memory_space<vmem>>, vector<128x128xf32>
    %dot_general3A = arith.constant dense<0.000000e+00> : vector<1000x128xf32>
    %dot_general3A_14 = tpu.matmul %get3A_10, %get3A_13, %dot_general3A {dimension_numbers = #tpu.dot_dimension_numbers<[1], [1], [0], [0], [0, 0, 1, 0], [], []>, transpose_lhs_hint = false} : vector<1000x128xf32>, vector<128x128xf32>, vector<1000x128xf32> -> vector<1000x128xf32>
    %mul3A = vector.broadcast %rsqrt3A : vector<1000x1xf32> to vector<1000x128xf32>
    %mul3A_15 = arith.mulf %dot_general3A_14, %mul3A : vector<1000x128xf32>
    %swap3A = arith.constant 0 : index
    %swap3A_16 = arith.constant 0 : index
    %swap3A_17 = vector.load %arg5[%swap3A, %swap3A_16] : memref<1000x128xf32, #tpu.memory_space<vmem>>, vector<1000x128xf32>
    tpu.vector_store %arg5[%swap3A, %swap3A_16], %mul3A_15 {strides = array<i32>} : memref<1000x128xf32, #tpu.memory_space<vmem>>, vector<1000x128xf32>,
    return
  }
  func.func @transform_0(%arg0: i32) -> (i32, i32) {
    %c0_i32 = arith.constant 0 : i32
    %c0_i32_0 = arith.constant 0 : i32
    return %arg0, %c0_i32 : i32, i32
  }
  func.func @transform_1(%arg0: i32) -> (i32, i32) {
    %c0_i32 = arith.constant 0 : i32
    %c0_i32_0 = arith.constant 0 : i32
    %c0_i32_1 = arith.constant 0 : i32
    return %c0_i32, %c0_i32_0 : i32, i32
  }
  func.func @transform_2(%arg0: i32) -> (i32, i32) {
    %c0_i32 = arith.constant 0 : i32
    %c0_i32_0 = arith.constant 0 : i32
    return %arg0, %c0_i32 : i32, i32
  }
  func.func @transform_3(%arg0: i32) -> (i32, i32) {
    %c0_i32 = arith.constant 0 : i32
    %c0_i32_0 = arith.constant 0 : i32
    return %arg0, %c0_i32 : i32, i32
  }
  func.func @transform_4(%arg0: i32) -> (i32, i32) {
    %c0_i32 = arith.constant 0 : i32
    %c0_i32_0 = arith.constant 0 : i32
    return %arg0, %c0_i32 : i32, i32
  }
}

module attributes {stable_mosaic.version = 14 : i64} {
  func.func @_fuse_body(%arg0: i32, %arg1: memref<1000x128xf32, #tpu.memory_space<vmem>>, %arg2: memref<1000x128xf32, #tpu.memory_space<vmem>>, %arg3: memref<1000x128xf32, #tpu.memory_space<vmem>>, %arg4: memref<1000x1xf32, #tpu.memory_space<vmem>>, %arg5: memref<1000x1xf32, #tpu.memory_space<vmem>>, %arg6: memref<1000x128xf32, #tpu.memory_space<vmem>>, %arg7: memref<128x128xf32, #tpu.memory_space<vmem>>, %arg8: memref<1x128xf32, #tpu.memory_space<vmem>>, %arg9: memref<128x128xf32, #tpu.memory_space<vmem>>, %arg10: memref<1x128xf32, #tpu.memory_space<vmem>>, %arg11: memref<1x128xf32, #tpu.memory_space<vmem>>, %arg12: memref<1000x128xf32, #tpu.memory_space<vmem>>, %arg13: memref<8x128xf32, #tpu.memory_space<vmem>>, %arg14: memref<8x128xf32, #tpu.memory_space<vmem>>) attributes {dimension_semantics = [#tpu.dimension_semantics<arbitrary>], iteration_bounds = array<i64: 10>, scalar_prefetch = 0 : i64, scratch_operands = 0 : i64, tpu.core_type = #tpu.core_type<tc>, window_params = [{transform_indices = @transform_0, window_bounds = array<i64: 1000, 128>}, {transform_indices = @transform_1, window_bounds = array<i64: 1000, 128>}, {transform_indices = @transform_2, window_bounds = array<i64: 1000, 128>}, {transform_indices = @transform_3, window_bounds = array<i64: 1000, 1>}, {transform_indices = @transform_4, window_bounds = array<i64: 1000, 1>}, {transform_indices = @transform_5, window_bounds = array<i64: 1000, 128>}, {pipeline_mode = #tpu.pipeline_mode<synchronous>, transform_indices = @transform_6, window_bounds = array<i64: 128, 128>}, {pipeline_mode = #tpu.pipeline_mode<synchronous>, transform_indices = @transform_7, window_bounds = array<i64: 1, 128>}, {pipeline_mode = #tpu.pipeline_mode<synchronous>, transform_indices = @transform_8, window_bounds = array<i64: 128, 128>}, {pipeline_mode = #tpu.pipeline_mode<synchronous>, transform_indices = @transform_9, window_bounds = array<i64: 1, 128>}, {pipeline_mode = #tpu.pipeline_mode<synchronous>, transform_indices = @transform_10, window_bounds = array<i64: 1, 128>}, {transform_indices = @transform_11, window_bounds = array<i64: 1000, 128>}, {pipeline_mode = #tpu.pipeline_mode<synchronous>, transform_indices = @transform_12, window_bounds = array<i64: 8, 128>}, {pipeline_mode = #tpu.pipeline_mode<synchronous>, transform_indices = @transform_13, window_bounds = array<i64: 8, 128>}]} {
    %get3A = arith.constant 0 : index
    %get3A_0 = arith.constant 0 : index
    %get3A_1 = vector.load %arg4[%get3A, %get3A_0] : memref<1000x1xf32, #tpu.memory_space<vmem>>, vector<1000x1xf32>
    %get3A_2 = arith.constant 0 : index
    %get3A_3 = arith.constant 0 : index
    %get3A_4 = vector.load %arg5[%get3A_2, %get3A_3] : memref<1000x1xf32, #tpu.memory_space<vmem>>, vector<1000x1xf32>
    %add3A = arith.addf %get3A_1, %get3A_4 : vector<1000x1xf32>
    %add3A_5 = arith.constant 1.000000e+00 : f32
    %add3A_6 = vector.broadcast %add3A_5 : f32 to vector<1000x1xf32>
    %add3A_7 = arith.addf %add3A, %add3A_6 : vector<1000x1xf32>
    %rsqrt3A = math.rsqrt %add3A_7 : vector<1000x1xf32>
    %get3A_8 = arith.constant 0 : index
    %get3A_9 = arith.constant 0 : index
    %get3A_10 = vector.load %arg3[%get3A_8, %get3A_9] : memref<1000x128xf32, #tpu.memory_space<vmem>>, vector<1000x128xf32>
    %get3A_11 = arith.constant 0 : index
    %get3A_12 = arith.constant 0 : index
    %get3A_13 = vector.load %arg1[%get3A_11, %get3A_12] : memref<1000x128xf32, #tpu.memory_space<vmem>>, vector<1000x128xf32>
    %get3A_14 = arith.constant 0 : index
    %get3A_15 = arith.constant 0 : index
    %get3A_16 = vector.load %arg2[%get3A_14, %get3A_15] : memref<1000x128xf32, #tpu.memory_space<vmem>>, vector<1000x128xf32>
    %add3A_17 = arith.addf %get3A_13, %get3A_16 : vector<1000x128xf32>
    %add3A_18 = arith.addf %add3A_17, %get3A_10 : vector<1000x128xf32>
    %mul3A = vector.broadcast %rsqrt3A : vector<1000x1xf32> to vector<1000x128xf32>
    %mul3A_19 = arith.mulf %add3A_18, %mul3A : vector<1000x128xf32>
    %get3A_20 = arith.constant 0 : index
    %get3A_21 = arith.constant 0 : index
    %get3A_22 = vector.load %arg11[%get3A_20, %get3A_21] : memref<1x128xf32, #tpu.memory_space<vmem>>, vector<1x128xf32>
    %add3A_23 = vector.broadcast %get3A_22 : vector<1x128xf32> to vector<1000x128xf32>
    %add3A_24 = arith.addf %mul3A_19, %add3A_23 : vector<1000x128xf32>
    %tanh3A = math.tanh %add3A_24 : vector<1000x128xf32>
    %get3A_25 = arith.constant 0 : index
    %get3A_26 = arith.constant 0 : index
    %get3A_27 = vector.load %arg7[%get3A_25, %get3A_26] : memref<128x128xf32, #tpu.memory_space<vmem>>, vector<128x128xf32>
    %dot_general3A = arith.constant dense<0.000000e+00> : vector<1000x128xf32>
    %dot_general3A_28 = tpu.matmul %tanh3A, %get3A_27, %dot_general3A {dimension_numbers = #tpu.dot_dimension_numbers<[1], [1], [0], [0], [0, 0, 1, 0], [], []>, transpose_lhs_hint = false} : vector<1000x128xf32>, vector<128x128xf32>, vector<1000x128xf32> -> vector<1000x128xf32>
    %get3A_29 = arith.constant 0 : index
    %get3A_30 = arith.constant 0 : index
    %get3A_31 = vector.load %arg8[%get3A_29, %get3A_30] : memref<1x128xf32, #tpu.memory_space<vmem>>, vector<1x128xf32>
    %add3A_32 = vector.broadcast %get3A_31 : vector<1x128xf32> to vector<1000x128xf32>
    %add3A_33 = arith.addf %dot_general3A_28, %add3A_32 : vector<1000x128xf32>
    %logistic3A = arith.negf %add3A_33 : vector<1000x128xf32>
    %logistic3A_34 = math.exp %logistic3A : vector<1000x128xf32>
    %logistic3A_35 = arith.constant 1.000000e+00 : f32
    %logistic3A_36 = vector.broadcast %logistic3A_35 : f32 to vector<1000x128xf32>
    %logistic3A_37 = arith.addf %logistic3A_36, %logistic3A_34 : vector<1000x128xf32>
    %logistic3A_38 = arith.divf %logistic3A_36, %logistic3A_37 : vector<1000x128xf32>
    %get3A_39 = arith.constant 0 : index
    %get3A_40 = arith.constant 0 : index
    %get3A_41 = vector.load %arg6[%get3A_39, %get3A_40] : memref<1000x128xf32, #tpu.memory_space<vmem>>, vector<1000x128xf32>
    %get3A_42 = arith.constant 0 : index
    %get3A_43 = arith.constant 0 : index
    %get3A_44 = vector.load %arg9[%get3A_42, %get3A_43] : memref<128x128xf32, #tpu.memory_space<vmem>>, vector<128x128xf32>
    %dot_general3A_45 = arith.constant dense<0.000000e+00> : vector<1000x128xf32>
    %dot_general3A_46 = tpu.matmul %get3A_41, %get3A_44, %dot_general3A_45 {dimension_numbers = #tpu.dot_dimension_numbers<[1], [1], [0], [0], [0, 0, 1, 0], [], []>, transpose_lhs_hint = false} : vector<1000x128xf32>, vector<128x128xf32>, vector<1000x128xf32> -> vector<1000x128xf32>
    %get3A_47 = arith.constant 0 : index
    %get3A_48 = arith.constant 0 : index
    %get3A_49 = vector.load %arg10[%get3A_47, %get3A_48] : memref<1x128xf32, #tpu.memory_space<vmem>>, vector<1x128xf32>
    %add3A_50 = vector.broadcast %get3A_49 : vector<1x128xf32> to vector<1000x128xf32>
    %add3A_51 = arith.addf %dot_general3A_46, %add3A_50 : vector<1000x128xf32>
    %sub3A = arith.constant 1.000000e+00 : f32
    %sub3A_52 = vector.broadcast %sub3A : f32 to vector<1000x128xf32>
    %sub3A_53 = arith.subf %sub3A_52, %logistic3A_38 : vector<1000x128xf32>
    %mul3A_54 = arith.mulf %sub3A_53, %add3A_51 : vector<1000x128xf32>
    %mul3A_55 = arith.mulf %logistic3A_38, %tanh3A : vector<1000x128xf32>
    %add3A_56 = arith.addf %mul3A_54, %mul3A_55 : vector<1000x128xf32>
    %max3A = arith.constant 0.000000e+00 : f32
    %max3A_57 = vector.broadcast %max3A : f32 to vector<1000x128xf32>
    %max3A_58 = arith.maximumf %add3A_56, %max3A_57 : vector<1000x128xf32>
    %swap3A = arith.constant 0 : index
    %swap3A_59 = arith.constant 0 : index
    %swap3A_60 = vector.load %arg12[%swap3A, %swap3A_59] : memref<1000x128xf32, #tpu.memory_space<vmem>>, vector<1000x128xf32>
    tpu.vector_store %arg12[%swap3A, %swap3A_59], %max3A_58 {strides = array<i32>} : memref<1000x128xf32, #tpu.memory_space<vmem>>, vector<1000x128xf32>,
    %reshape3A = vector.shape_cast %max3A_58 : vector<1000x128xf32> to vector<125x8x128xf32>
    %reduce_sum3A = arith.constant dense<0.000000e+00> : vector<8x128xf32>
    %reduce_sum3A_61 = vector.multi_reduction <add>, %reshape3A, %reduce_sum3A [0] : vector<125x8x128xf32> to vector<8x128xf32>
    %mul3A_62 = arith.mulf %max3A_58, %max3A_58 : vector<1000x128xf32>
    %reshape3A_63 = vector.shape_cast %mul3A_62 : vector<1000x128xf32> to vector<125x8x128xf32>
    %reduce_sum3A_64 = arith.constant dense<0.000000e+00> : vector<8x128xf32>
    %reduce_sum3A_65 = vector.multi_reduction <add>, %reshape3A_63, %reduce_sum3A_64 [0] : vector<125x8x128xf32> to vector<8x128xf32>
    %eq3A = arith.constant 0 : i32
    %eq3A_66 = arith.cmpi eq, %arg0, %eq3A : i32
    %convert_element_type3A = arith.extui %eq3A_66 : i1 to i32
    %cond3A = arith.constant 0 : i32
    %cond3A_67 = arith.cmpi ne, %convert_element_type3A, %cond3A : i32
    scf.if %cond3A_67 {
      %broadcast_in_dim3A = arith.constant 0.000000e+00 : f32
      %broadcast_in_dim3A_82 = vector.broadcast %broadcast_in_dim3A : f32 to vector<8x128xf32>
      %swap3A_83 = arith.constant 0 : index
      %swap3A_84 = arith.constant 0 : index
      %swap3A_85 = vector.load %arg13[%swap3A_83, %swap3A_84] : memref<8x128xf32, #tpu.memory_space<vmem>>, vector<8x128xf32>
      tpu.vector_store %arg13[%swap3A_83, %swap3A_84], %broadcast_in_dim3A_82 {strides = array<i32>} : memref<8x128xf32, #tpu.memory_space<vmem>>, vector<8x128xf32>,
      %broadcast_in_dim3A_86 = arith.constant 0.000000e+00 : f32
      %broadcast_in_dim3A_87 = vector.broadcast %broadcast_in_dim3A_86 : f32 to vector<8x128xf32>
      %swap3A_88 = arith.constant 0 : index
      %swap3A_89 = arith.constant 0 : index
      %swap3A_90 = vector.load %arg14[%swap3A_88, %swap3A_89] : memref<8x128xf32, #tpu.memory_space<vmem>>, vector<8x128xf32>
      tpu.vector_store %arg14[%swap3A_88, %swap3A_89], %broadcast_in_dim3A_87 {strides = array<i32>} : memref<8x128xf32, #tpu.memory_space<vmem>>, vector<8x128xf32>,
    } else {
    }
    %get3A_68 = arith.constant 0 : index
    %get3A_69 = arith.constant 0 : index
    %get3A_70 = vector.load %arg13[%get3A_68, %get3A_69] : memref<8x128xf32, #tpu.memory_space<vmem>>, vector<8x128xf32>
    %add3A_71 = arith.addf %get3A_70, %reduce_sum3A_61 : vector<8x128xf32>
    %swap3A_72 = arith.constant 0 : index
    %swap3A_73 = arith.constant 0 : index
    %swap3A_74 = vector.load %arg13[%swap3A_72, %swap3A_73] : memref<8x128xf32, #tpu.memory_space<vmem>>, vector<8x128xf32>
    tpu.vector_store %arg13[%swap3A_72, %swap3A_73], %add3A_71 {strides = array<i32>} : memref<8x128xf32, #tpu.memory_space<vmem>>, vector<8x128xf32>,
    %get3A_75 = arith.constant 0 : index
    %get3A_76 = arith.constant 0 : index
    %get3A_77 = vector.load %arg14[%get3A_75, %get3A_76] : memref<8x128xf32, #tpu.memory_space<vmem>>, vector<8x128xf32>
    %add3A_78 = arith.addf %get3A_77, %reduce_sum3A_65 : vector<8x128xf32>
    %swap3A_79 = arith.constant 0 : index
    %swap3A_80 = arith.constant 0 : index
    %swap3A_81 = vector.load %arg14[%swap3A_79, %swap3A_80] : memref<8x128xf32, #tpu.memory_space<vmem>>, vector<8x128xf32>
    tpu.vector_store %arg14[%swap3A_79, %swap3A_80], %add3A_78 {strides = array<i32>} : memref<8x128xf32, #tpu.memory_space<vmem>>, vector<8x128xf32>,
    return
  }
  func.func @transform_0(%arg0: i32) -> (i32, i32) {
    %c0_i32 = arith.constant 0 : i32
    %c0_i32_0 = arith.constant 0 : i32
    return %arg0, %c0_i32 : i32, i32
  }
  func.func @transform_1(%arg0: i32) -> (i32, i32) {
    %c0_i32 = arith.constant 0 : i32
    %c0_i32_0 = arith.constant 0 : i32
    return %arg0, %c0_i32 : i32, i32
  }
  func.func @transform_2(%arg0: i32) -> (i32, i32) {
    %c0_i32 = arith.constant 0 : i32
    %c0_i32_0 = arith.constant 0 : i32
    return %arg0, %c0_i32 : i32, i32
  }
  func.func @transform_3(%arg0: i32) -> (i32, i32) {
    %c0_i32 = arith.constant 0 : i32
    %c0_i32_0 = arith.constant 0 : i32
    return %arg0, %c0_i32 : i32, i32
  }
  func.func @transform_4(%arg0: i32) -> (i32, i32) {
    %c0_i32 = arith.constant 0 : i32
    %c0_i32_0 = arith.constant 0 : i32
    return %arg0, %c0_i32 : i32, i32
  }
  func.func @transform_5(%arg0: i32) -> (i32, i32) {
    %c0_i32 = arith.constant 0 : i32
    %c0_i32_0 = arith.constant 0 : i32
    return %arg0, %c0_i32 : i32, i32
  }
  func.func @transform_6(%arg0: i32) -> (i32, i32) {
    %c0_i32 = arith.constant 0 : i32
    %c0_i32_0 = arith.constant 0 : i32
    %c0_i32_1 = arith.constant 0 : i32
    return %c0_i32, %c0_i32_0 : i32, i32
  }
  func.func @transform_7(%arg0: i32) -> (i32, i32) {
    %c0_i32 = arith.constant 0 : i32
    %c0_i32_0 = arith.constant 0 : i32
    %c0_i32_1 = arith.constant 0 : i32
    return %c0_i32, %c0_i32_0 : i32, i32
  }
  func.func @transform_8(%arg0: i32) -> (i32, i32) {
    %c0_i32 = arith.constant 0 : i32
    %c0_i32_0 = arith.constant 0 : i32
    %c0_i32_1 = arith.constant 0 : i32
    return %c0_i32, %c0_i32_0 : i32, i32
  }
  func.func @transform_9(%arg0: i32) -> (i32, i32) {
    %c0_i32 = arith.constant 0 : i32
    %c0_i32_0 = arith.constant 0 : i32
    %c0_i32_1 = arith.constant 0 : i32
    return %c0_i32, %c0_i32_0 : i32, i32
  }
  func.func @transform_10(%arg0: i32) -> (i32, i32) {
    %c0_i32 = arith.constant 0 : i32
    %c0_i32_0 = arith.constant 0 : i32
    %c0_i32_1 = arith.constant 0 : i32
    return %c0_i32, %c0_i32_0 : i32, i32
  }
  func.func @transform_11(%arg0: i32) -> (i32, i32) {
    %c0_i32 = arith.constant 0 : i32
    %c0_i32_0 = arith.constant 0 : i32
    return %arg0, %c0_i32 : i32, i32
  }
  func.func @transform_12(%arg0: i32) -> (i32, i32) {
    %c0_i32 = arith.constant 0 : i32
    %c0_i32_0 = arith.constant 0 : i32
    %c0_i32_1 = arith.constant 0 : i32
    return %c0_i32, %c0_i32_0 : i32, i32
  }
  func.func @transform_13(%arg0: i32) -> (i32, i32) {
    %c0_i32 = arith.constant 0 : i32
    %c0_i32_0 = arith.constant 0 : i32
    %c0_i32_1 = arith.constant 0 : i32
    return %c0_i32, %c0_i32_0 : i32, i32
  }
}

module attributes {stable_mosaic.version = 14 : i64} {
  func.func @_bn_body(%arg0: i32, %arg1: memref<1000x128xf32, #tpu.memory_space<vmem>>, %arg2: memref<8x128xf32, #tpu.memory_space<vmem>>, %arg3: memref<8x128xf32, #tpu.memory_space<vmem>>, %arg4: memref<1x128xf32, #tpu.memory_space<vmem>>, %arg5: memref<1x128xf32, #tpu.memory_space<vmem>>, %arg6: memref<1000x128xf32, #tpu.memory_space<vmem>>) attributes {dimension_semantics = [#tpu.dimension_semantics<arbitrary>], iteration_bounds = array<i64: 10>, scalar_prefetch = 0 : i64, scratch_operands = 0 : i64, tpu.core_type = #tpu.core_type<tc>, window_params = [{transform_indices = @transform_0, window_bounds = array<i64: 1000, 128>}, {pipeline_mode = #tpu.pipeline_mode<synchronous>, transform_indices = @transform_1, window_bounds = array<i64: 8, 128>}, {pipeline_mode = #tpu.pipeline_mode<synchronous>, transform_indices = @transform_2, window_bounds = array<i64: 8, 128>}, {pipeline_mode = #tpu.pipeline_mode<synchronous>, transform_indices = @transform_3, window_bounds = array<i64: 1, 128>}, {pipeline_mode = #tpu.pipeline_mode<synchronous>, transform_indices = @transform_4, window_bounds = array<i64: 1, 128>}, {transform_indices = @transform_5, window_bounds = array<i64: 1000, 128>}]} {
    %get3A = arith.constant 0 : index
    %get3A_0 = arith.constant 0 : index
    %get3A_1 = vector.load %arg2[%get3A, %get3A_0] : memref<8x128xf32, #tpu.memory_space<vmem>>, vector<8x128xf32>
    %reduce_sum3A = arith.constant dense<0.000000e+00> : vector<128xf32>
    %reduce_sum3A_2 = vector.multi_reduction <add>, %get3A_1, %reduce_sum3A [0] : vector<8x128xf32> to vector<128xf32>
    %mul3A = arith.constant 9.99999974E-5 : f32
    %mul3A_3 = vector.broadcast %mul3A : f32 to vector<128xf32>
    %mul3A_4 = arith.mulf %reduce_sum3A_2, %mul3A_3 : vector<128xf32>
    %get3A_5 = arith.constant 0 : index
    %get3A_6 = arith.constant 0 : index
    %get3A_7 = vector.load %arg3[%get3A_5, %get3A_6] : memref<8x128xf32, #tpu.memory_space<vmem>>, vector<8x128xf32>
    %reduce_sum3A_8 = arith.constant dense<0.000000e+00> : vector<128xf32>
    %reduce_sum3A_9 = vector.multi_reduction <add>, %get3A_7, %reduce_sum3A_8 [0] : vector<8x128xf32> to vector<128xf32>
    %mul3A_10 = arith.constant 9.99999974E-5 : f32
    %mul3A_11 = vector.broadcast %mul3A_10 : f32 to vector<128xf32>
    %mul3A_12 = arith.mulf %reduce_sum3A_9, %mul3A_11 : vector<128xf32>
    %mul3A_13 = arith.mulf %mul3A_4, %mul3A_4 : vector<128xf32>
    %sub3A = arith.subf %mul3A_12, %mul3A_13 : vector<128xf32>
    %add3A = arith.constant 9.99999974E-6 : f32
    %add3A_14 = vector.broadcast %add3A : f32 to vector<128xf32>
    %add3A_15 = arith.addf %sub3A, %add3A_14 : vector<128xf32>
    %rsqrt3A = math.rsqrt %add3A_15 : vector<128xf32>
    %get3A_16 = arith.constant 0 : index
    %get3A_17 = arith.constant 0 : index
    %get3A_18 = vector.load %arg4[%get3A_16, %get3A_17] : memref<1x128xf32, #tpu.memory_space<vmem>>, vector<1x128xf32>
    %get3A_19 = vector.shape_cast %get3A_18 : vector<1x128xf32> to vector<128xf32>
    %mul3A_20 = arith.mulf %rsqrt3A, %get3A_19 : vector<128xf32>
    %get3A_21 = arith.constant 0 : index
    %get3A_22 = arith.constant 0 : index
    %get3A_23 = vector.load %arg5[%get3A_21, %get3A_22] : memref<1x128xf32, #tpu.memory_space<vmem>>, vector<1x128xf32>
    %get3A_24 = vector.shape_cast %get3A_23 : vector<1x128xf32> to vector<128xf32>
    %mul3A_25 = arith.mulf %mul3A_4, %mul3A_20 : vector<128xf32>
    %sub3A_26 = arith.subf %get3A_24, %mul3A_25 : vector<128xf32>
    %get3A_27 = arith.constant 0 : index
    %get3A_28 = arith.constant 0 : index
    %get3A_29 = vector.load %arg1[%get3A_27, %get3A_28] : memref<1000x128xf32, #tpu.memory_space<vmem>>, vector<1000x128xf32>
    %broadcast_in_dim3A = vector.shape_cast %mul3A_20 : vector<128xf32> to vector<1x128xf32>
    %mul3A_30 = vector.broadcast %broadcast_in_dim3A : vector<1x128xf32> to vector<1000x128xf32>
    %mul3A_31 = arith.mulf %get3A_29, %mul3A_30 : vector<1000x128xf32>
    %broadcast_in_dim3A_32 = vector.shape_cast %sub3A_26 : vector<128xf32> to vector<1x128xf32>
    %add3A_33 = vector.broadcast %broadcast_in_dim3A_32 : vector<1x128xf32> to vector<1000x128xf32>
    %add3A_34 = arith.addf %mul3A_31, %add3A_33 : vector<1000x128xf32>
    %swap3A = arith.constant 0 : index
    %swap3A_35 = arith.constant 0 : index
    %swap3A_36 = vector.load %arg6[%swap3A, %swap3A_35] : memref<1000x128xf32, #tpu.memory_space<vmem>>, vector<1000x128xf32>
    tpu.vector_store %arg6[%swap3A, %swap3A_35], %add3A_34 {strides = array<i32>} : memref<1000x128xf32, #tpu.memory_space<vmem>>, vector<1000x128xf32>,
    return
  }
  func.func @transform_0(%arg0: i32) -> (i32, i32) {
    %c0_i32 = arith.constant 0 : i32
    %c0_i32_0 = arith.constant 0 : i32
    return %arg0, %c0_i32 : i32, i32
  }
  func.func @transform_1(%arg0: i32) -> (i32, i32) {
    %c0_i32 = arith.constant 0 : i32
    %c0_i32_0 = arith.constant 0 : i32
    %c0_i32_1 = arith.constant 0 : i32
    return %c0_i32, %c0_i32_0 : i32, i32
  }
  func.func @transform_2(%arg0: i32) -> (i32, i32) {
    %c0_i32 = arith.constant 0 : i32
    %c0_i32_0 = arith.constant 0 : i32
    %c0_i32_1 = arith.constant 0 : i32
    return %c0_i32, %c0_i32_0 : i32, i32
  }
  func.func @transform_3(%arg0: i32) -> (i32, i32) {
    %c0_i32 = arith.constant 0 : i32
    %c0_i32_0 = arith.constant 0 : i32
    %c0_i32_1 = arith.constant 0 : i32
    return %c0_i32, %c0_i32_0 : i32, i32
  }
  func.func @transform_4(%arg0: i32) -> (i32, i32) {
    %c0_i32 = arith.constant 0 : i32
    %c0_i32_0 = arith.constant 0 : i32
    %c0_i32_1 = arith.constant 0 : i32
    return %c0_i32, %c0_i32_0 : i32, i32
  }
  func.func @transform_5(%arg0: i32) -> (i32, i32) {
    %c0_i32 = arith.constant 0 : i32
    %c0_i32_0 = arith.constant 0 : i32
    return %arg0, %c0_i32 : i32, i32
  }
}

</mosaic_0001>

<sc_bundles>
// kernel: kernel.10.cloned.1.call-start
scs
__scs_entry_jumppad:
0x0: {  	(pc) =	sbr.rel $0x88, $3  }
0x1: {  	(tag) =	ssettag $0x0;
	lr =	simm.s32 $0x1  }
0x2: {  	[smem:$0x3F97] =	sst lr;
	_ =	strace $0xD0000000  }
0x3: {  	_ = 	snop  }
0x4: {  	_ = 	snop  }
0x5: {  	_ = 	snop  }
0x6: {  	_ = 	snop  }
0x7: {  	_ = 	snop  }
__scs_overlays_trampoline_lowered:
0x8: {  	[smem:$0x3FA6] =	sst s0  }
0x9: {  	[smem:$0x3FA7] =	sst s1  }
0xa: {  	[smem:$0x3FA8] =	sst s2  }
0xb: {  	[smem:$0x3FA9] =	sst s3  }
0xc: {  	[smem:$0x3FAA] =	sst s4  }
0xd: {  	[smem:$0x3FAB] =	sst s5  }
0xe: {  	[smem:$0x3FAC] =	sst s6  }
0xf: {  	[smem:$0x3FAD] =	sst s7  }
0x10: {  	[smem:$0x3FAE] =	sst s8  }
0x11: {  	[smem:$0x3FAF] =	sst s9;
	s0 =	simm.s32 @!p0 $0x0  }
0x12: {  	s1 =	sld [smem:$0x3F95];
	s0 =	simm.s32 @p0 $0x1  }
0x13: {  	[smem:$0x3FB0] =	sst s0;
	s0 =	simm.s32 @!p1 $0x0  }
0x14: {  	s2 =	sld [smem:$0x3F94];
	s0 =	simm.s32 @p1 $0x1  }
0x15: {  	[smem:$0x3FB1] =	sst s0;
	s0 =	simm.s32 @!p2 $0x0  }
0x16: {  	s3 =	sld [smem:$0x3FDB];
	s0 =	simm.s32 @p2 $0x1  }
0x17: {  	s4 =	simm.s32 $0x1BF5;
	[smem:$0x3FB3] =	sst s0  }
0x18: {  	s0 =	sld [smem:$0x3F96];
	_ =	swait.ge [sflag:s4], $0x0  }
0x19: {  	s7 =	sld [smem:$0x3F97]  }
0x1a: {  	s8 =	sadd.s32 $0xFFFFE003, lr  }
0x1b: {  	s9 =	sadd.s32 $0xFFFFFEF7, lr;
	s5 =	simm.s32 $0xFFFFFFFF;
	p2 =	slt.u32 s8, $0xFFFFF086  }
0x1c: {  	p1 =	slt.u32 s9, $0xF7A;
	s5 =	simm.s32 @!p2 $0x0  }
0x1d: {  	s5 =	simm.s32 @p1 $0x1;
	p0 =	seq.s32 s7, s2  }
0x1e: {  	s7 =	smul.u32 @!p0 $0xF7A, s2;
	p2 =	seq.s32 @!p0 s5, $0x0  }
0x1f: {  	s9 =	smul.u32 $0xF7A, s1;
	s8 =	simm.s32 @!p0 $0x1BF5;
	p2 =	por !p2, p0  }
0x20: {  	[sflag:s8] =	ssyncset.s32 @!p0 $0xFFFFF086;
	s6 =	sadd.s32 @!p0 s3, s7;
	s7 =	simm.s32 @!p0 $0x108  }
0x21: {  	s3 =	sadd.s32 s3, s9;
	s6 =	sadd.s32 @!p0 $0x88, s6;
	s7 =	simm.s32 @p2 $0x1082  }
0x22: {  	[simem:s7], [sflag:s8] =	dma.local @!p0 [hbm:s6], $0xF7A  }
0x23: {  	s9 =	sor.u32 $0xD0000000, s2;
	s6 =	simm.s32 $0x108;
	_ =	swait.ge @!p0 [sflag:s8], $0x0  }
0x24: {  	s3 =	sadd.s32 $0x88, s3;
	s6 =	simm.s32 @!p1 $0x1082;
	[sflag:s4] =	ssyncset.s32 $0xFFFFF086  }
0x25: {  	[simem:s6], [sflag:s4] =	dma.local [hbm:s3], $0xF7A  }
0x26: {  	[smem:$0x3F97] =	sst s1;
	(tag) =	ssettag s2;
	_ =	strace s9  }
0x27: {  	s1 =	sld [smem:$0x3FA7]  }
0x28: {  	s2 =	sld [smem:$0x3FA8]  }
0x29: {  	s4 =	sld [smem:$0x3FAA]  }
0x2a: {  	p0 =	seq.s32 s5, $0x0;
	s5 =	sld [smem:$0x3FAB]  }
0x2b: {  	s6 =	sld [smem:$0x3FAC]  }
0x2c: {  	s7 =	sld [smem:$0x3FAD]  }
0x2d: {  	s3 =	simm.s32 $0x108;
	s8 =	sld [smem:$0x3FAE]  }
0x2e: {  	s3 =	simm.s32 @!p0 $0x1082;
	s9 =	sld [smem:$0x3FAF]  }
0x2f: {  	lr =	sadd.s32 s0, s3;
	s0 =	sld [smem:$0x3FA6]  }
0x30: {  	s3 =	sld [smem:$0x3FA9]  }
0x31: {  	[smem:$0x3FB2] =	sst s10  }
0x32: {  	s10 =	sld [smem:$0x3FB0];
	_ =	sdelay $0x3  }
0x33: {  	p0 =	seq.s32 s10, $0x1;
	s10 =	sld [smem:$0x3FB2];
	_ =	sdelay $0x3  }
0x34: {  	[smem:$0x3FB2] =	sst s10  }
0x35: {  	s10 =	sld [smem:$0x3FB1];
	_ =	sdelay $0x3  }
0x36: {  	p1 =	seq.s32 s10, $0x1;
	s10 =	sld [smem:$0x3FB2];
	_ =	sdelay $0x3  }
0x37: {  	[smem:$0x3FB2] =	sst s10  }
0x38: {  	s10 =	sld [smem:$0x3FB3]  }
0x39: {  	_ = 	snop;
	(pc) =	sbr.ind lr, $3  }
0x3a: {  	_ = 	snop  }
0x3b: {  	_ = 	snop  }
0x3c: {  	p2 =	seq.s32 s10, $0x1;
	s10 =	sld [smem:$0x3FB2]  }
0x3d: {  	_ =	shalt  }
0x3e: {  	_ =	shalt  }
0x3f: {  	_ =	shalt  }
0x40: {  	_ =	shalt  }
0x41: {  	_ =	shalt  }
0x42: {  	_ =	shalt  }
0x43: {  	_ =	shalt  }
0x44: {  	_ =	shalt  }
0x45: {  	_ =	shalt  }
0x46: {  	_ =	shalt  }
0x47: {  	_ =	shalt  }
0x48: {  	_ =	shalt  }
0x49: {  	_ =	shalt  }
0x4a: {  	_ =	shalt  }
0x4b: {  	_ =	shalt  }
0x4c: {  	_ =	shalt  }
0x4d: {  	_ =	shalt  }
0x4e: {  	_ =	shalt  }
0x4f: {  	_ =	shalt  }
0x50: {  	_ =	shalt  }
0x51: {  	_ =	shalt  }
0x52: {  	_ =	shalt  }
0x53: {  	_ =	shalt  }
0x54: {  	_ =	shalt  }
0x55: {  	_ =	shalt  }
0x56: {  	_ =	shalt  }
0x57: {  	_ =	shalt  }
0x58: {  	_ =	shalt  }
0x59: {  	_ =	shalt  }
0x5a: {  	_ =	shalt  }
0x5b: {  	_ =	shalt  }
0x5c: {  	_ =	shalt  }
0x5d: {  	_ =	shalt  }
0x5e: {  	_ =	shalt  }
0x5f: {  	_ =	shalt  }
0x60: {  	_ =	shalt  }
0x61: {  	_ =	shalt  }
0x62: {  	_ =	shalt  }
0x63: {  	_ =	shalt  }
0x64: {  	_ =	shalt  }
0x65: {  	_ =	shalt  }
0x66: {  	_ =	shalt  }
0x67: {  	_ =	shalt  }
0x68: {  	_ =	shalt  }
0x69: {  	_ =	shalt  }
0x6a: {  	_ =	shalt  }
0x6b: {  	_ =	shalt  }
0x6c: {  	_ =	shalt  }
0x6d: {  	_ =	shalt  }
0x6e: {  	_ =	shalt  }
0x6f: {  	_ =	shalt  }
0x70: {  	_ =	shalt  }
0x71: {  	_ =	shalt  }
0x72: {  	_ =	shalt  }
0x73: {  	_ =	shalt  }
0x74: {  	_ =	shalt  }
0x75: {  	_ =	shalt  }
0x76: {  	_ =	shalt  }
0x77: {  	_ =	shalt  }
0x78: {  	_ =	shalt  }
0x79: {  	_ =	shalt  }
0x7a: {  	_ =	shalt  }
0x7b: {  	_ =	shalt  }
0x7c: {  	_ =	shalt  }
0x7d: {  	_ =	shalt  }
0x7e: {  	_ =	shalt  }
0x7f: {  	_ =	shalt  }
0x80: {  	_ =	shalt  }
0x81: {  	_ =	shalt  }
0x82: {  	_ =	shalt  }
0x83: {  	_ =	shalt  }
0x84: {  	_ =	shalt  }
0x85: {  	_ =	shalt  }
0x86: {  	_ =	shalt  }
0x87: {  	_ =	shalt  }
.Lfunc_end0:
.L_simem_size_0:
called_computation.1_lowered:
.L_overlay_start_0:
0x88: {  	s2 =	sld [smem:$0x3FD9]  }
0x89: {  	s3 =	sld [smem:$0x3FFE];
	_ =	sdelay $0x1  }
0x8a: {  	s1 =	srdreg.scid  }
0x8b: {  	s0 =	sand.u32 $0x1, s1  }
0x8c: {  	s17 =	sshll.u32 s0, $0xA;
	s2 =	sadd.s32 s3, s2  }
0x8d: {  	s2 =	sadd.s32 s2, s17  }
0x8e: {  	[smem:$0x3FBE] =	sst s2  }
0x8f: {  	_ = 	snop  }
0x90: {  	s2 =	sld [smem:$0x3FD0];
	(tm) =	ssettm $0x1  }
0x91: {  	s18 =	sld [smem:$0x3FFB];
	_ =	sdelay $0x3  }
0x92: {  	_ =	strace s18  }
0x93: {  	s3 =	sld [smem:$0x3FFC];
	_ =	sdelay $0x3  }
0x94: {  	_ =	strace s3  }
0x95: {  	s3 =	sld [smem:$0x3FFD];
	_ =	sdelay $0x3  }
0x96: {  	_ =	strace s3  }
0x97: {  	_ =	strace $0x8FFFFFFF  }
0x98: {  	s19 =	sld [smem:$0x3FDB];
	_ =	sdelay $0x1  }
0x99: {  	s4 =	simm.s32 $_scs_section_size  }
0x9a: {  	s5 =	simm.s32 $_size__tile_overlayer_lowered;
	s6 =	simm.s32 $_tile_overlayer_lowered  }
0x9b: {  	s22 =	simm.s32 $0x1BFF;
	s21 =	sshll.u32 s6, $0x1;
	s3 =	sadd.s32 s4, s19  }
0x9c: {  	s7 =	simm.s32 $0x0;
	s20 =	sshll.u32 s5, $0x1;
	s5 =	sadd.s32 s21, s3  }
0x9d: {  	[timem:s7], [sflag:s22] =	dma.local [hbm:s5], s20  }
0x9e: {  	_ =	swait.ge [sflag:s22], s20  }
0x9f: {  	s4 =	ssub.s32 $0x0, s20;
	[sflag:s22] =	ssyncset.done $0x0  }
0xa0: {  	[sflag:s22] =	ssyncadd.s32 s4;
	_ =	sdelay $0x1  }
0xa1: {  	s23 =	simm.s32 $0x1B8B  }
0xa2: {  	_ =	swait.ge [sflag:s23], $0x1  }
0xa3: {  	[sflag:s23] =	ssyncset.done $0x0  }
0xa4: {  	s25 =	simm.s32 $0x1B8E;
	s24 =	sld [smem:$0x3FFE];
	[sflag:s23] =	ssyncadd.s32 $0xFFFFFFFF  }
0xa5: {  	s26 =	simm.s32 $execute0_lowered;
	[smem:$0x3FD2] =	sst s25  }
0xa6: {  	s5 =	sshll.u32 s26, $0x1;
	_ =	strace $0x80000049;
	[dreg:$0x1] =	wrdreg $0xFFFFFFFF  }
0xa7: {  	s28 =	simm.s32 $_size_execute0_lowered;
	s3 =	sadd.s32 s3, s5;
	[dreg:$0x0] =	wrdreg $0x0  }
0xa8: {  	s5 =	sshll.u32 s28, $0x1;
	[dreg:$0x2] =	wrdreg s3  }
0xa9: {  	[dreg:$0x3] =	wrdreg s5  }
0xaa: {  	[dreg:$0x4] =	wrdreg $0xC0  }
0xab: {  	_ =	task [dreg:s7], $0x5FFFF  }
0xac: {  	[dreg:$0x1] =	wrdreg $0xFFFFFFFF  }
0xad: {  	[dreg:$0x0] =	wrdreg $0x60  }
0xae: {  	[dreg:$0x2] =	wrdreg s2  }
0xaf: {  	[dreg:$0x3] =	wrdreg s24  }
0xb0: {  	[dreg:$0x4] =	wrdreg $0x0  }
0xb1: {  	[dreg:$0x5] =	wrdreg $0x9  }
0xb2: {  	_ =	task.clear_ibuf [dreg:s7], $0x6FFFF;
	_ =	strace $0x90000049  }
0xb3: {  	s29 =	simm.s32 $0x9;
	_ =	strace $0x8000004B  }
0xb4: {  	_ =	swait.ge [sflag:s29], $0x1  }
0xb5: {  	[sflag:s29] =	ssyncadd.s32 $0xFFFFFFFF  }
0xb6: {  	_ =	strace $0x9000004B  }
0xb7: {  	_ =	sfence  }
0xb8: {  	s30 =	sld [smem:$0x0];
	_ =	sdelay $0x2  }
0xb9: {  	s31 =	sshll.u32 s1, $0xD;
	s1 =	sshrl.u32 s1, $0x2  }
0xba: {  	s3 =	sand.u32 $0x4000, s31;
	s1 =	sadd.s32 s1, s30  }
0xbb: {  	s0 =	sor.u32 s3, s0;
	s1 =	sshll.u32 s1, $0x11  }
0xbc: {  	s0 =	sor.u32 s1, s0  }
0xbd: {  	s0 =	sadd.s32 $0x8F2B, s0  }
0xbe: {  	[sflag:s0] =	ssyncadd.remote.s32 $0x1  }
0xbf: {  	_ =	sfence.sel $0xFFFF  }
0xc0: {  	[dreg:$0x0] =	wrdreg $0xFFFFFFFF;
	(pc) =	sbr.abs _section_cstart, $3  }
0xc1: {  	[dreg:$0x1] =	wrdreg $0xFFFFFFFF  }
0xc2: {  	_ =	task.clear_ibuf [dreg:s7], $0x2FFFF;
	_ =	strace $0x9FFFFFFF  }
0xc3: {  	(tm) =	ssettm $0x7FFFFFFF  }
tec
execute0_lowered:
.L_overlay_start_1:
0x0: {  	(tag) =	ssettag $0x1  }
0x1: {  	s2 =	rddreg [dreg:$0x0]  }
0x2: {  	s0 =	rddreg [dreg:$0x1]  }
0x3: {  	s3 =	rddreg [dreg:$0x2]  }
0x4: {  	s10 =	stileid.u32;
	s1 =	srdreg.scid  }
0x5: {  	s15 =	simm.s32 $0x0;
	s13 =	simm.s32 $0x5;
	s14 =	simm.s32 $0x13C00  }
0x6: {  	s16 =	simm.s32 $0x20;
	s17 =	simm.s32 $0x16400;
	s19 =	simm.s32 $0x17400  }
0x7: {  	s21 =	simm.s32 $0x18400;
	s28 =	simm.s32 $0x1D400;
	s29 =	simm.s32 $0x1  }
0x8: {  	s30 =	simm.s32 $0x2;
	s31 =	simm.s32 $0x80;
	s11 =	simm.s32 $0x14FC0  }
0x9: {  	s12 =	simm.s32 $0x16300;
	s4 =	smul.u32 $0x13C00, s10;
	s1 =	sand.u32 $0x1, s1  }
0xa: {  	[smem:$0x7FF] =	sst s15;
	s5 =	sadd.s32 $0xC800, s0;
	s9 =	smul.u32 $0x4F000, s10  }
0xb: {  	s25 =	sshll.u32 s10, $0x6;
	s6 =	smul.u32 $0x13C000, s1;
	_ =	strace $0x8000004A  }
0xc: {  	s22 =	ssub.s32 $0x2, s1;
	s1 =	sshll.u32 s1, $0x4;
	s18 =	sor.u32 $0x1C05, s25  }
0xd: {  	s25 =	simm.s32 $0x1B400;
	s7 =	sshrl.u32 s4, $0x3;
	s23 =	sshrl.u32 s22, $0x1  }
0xe: {  	s1 =	sor.u32 s10, s1;
	s24 =	sshrl.u32 s9, $0x2;
	s10 =	simm.s32 $0x14FA0  }
0xf: {  	s9 =	simm.s32 $0x14FE0;
	[dreg:$0x6] =	wrdreg s18;
	s4 =	sadd.s32 s4, s6  }
0x10: {  	s6 =	sadd.s32 $0x2800, s0;
	s8 =	sadd.s32 s7, s0;
	s7 =	smul.u32 $0x50, s1  }
0x11: {  	s1 =	sadd.s32 s24, s3;
	s24 =	simm.s32 $0x1A400;
	s4 =	sshrl.u32 s4, $0x3  }
0x12: {  	s8 =	sadd.s32 $0x64C00, s8;
	s20 =	sshrl.u32 s1, $0x3;
	s1 =	simm.s32 $0x4  }
0x13: {  	s0 =	sadd.s32 s4, s0;
	s4 =	ssub.s32 s22, s23;
	[dreg:$0x5] =	wrdreg s8  }
0x14: {  	s23 =	simm.s32 $0x19400;
	[dreg:$0x9] =	wrdreg s20;
	s0 =	sadd.s32 $0x8C400, s0  }
0x15: {  	s26 =	smax.u32 s4, $0x1;
	s4 =	simm.s32 $0x16380;
	[dreg:$0x7] =	wrdreg s0  }
0x16: {  	[dreg:$0x8] =	wrdreg s26;
	s26 =	simm.s32 $0x1C400;
	s0 =	simm.s32 $0x3  }
.LBB2_1:
0x17: {  	[dreg:$0x4] =	wrdreg s15  }
0x18: {  	s8 =	rddreg [dreg:$0x5]  }
0x19: {  	[spmem:s20], [sflag:s18] =	dma.local [hbm:s8], $0x2780  }
0x1a: {  	_ =	swait.ge [sflag:s13], $0x2780  }
0x1b: {  	[sflag:s13] =	ssyncset.done $0x0  }
0x1c: {  	[sflag:s13] =	ssyncadd.s32 $0xFFFFD880  }
0x1d: {  	p1 =	por $0x1, $0x1;
	s15 =	simm.s32 $0x0;
	[bflag:$0x0] =	sbarrier.arrive $0xFFFF  }
.LBB2_2:
0x1e: {  	s15 =	sadd.s32 s7, s15  }
0x1f: {  	s15 =	sshll.u32 s15, $0x4  }
0x20: {  	s20 =	simm.s32 $0x0;
	s18 =	sadd.s32 s5, s15  }
0x21: {  	[tilespmem:s14], [sflag:$0x5] =	stream.linear.gather [hbm4b:s18+s20], $0x1400, $0x38;
	[tilespmem:$0x1E400] =	vst v63  }
0x22: {  	_ =	swait.ge [sflag:s13], $0x1400  }
0x23: {  	[sflag:s13] =	ssyncset.done $0x0  }
0x24: {  	s8 =	simm.s32 $0x15000;
	s15 =	sadd.s32 s6, s15;
	[sflag:s13] =	ssyncadd.s32 $0xFFFFEC00  }
0x25: {  	[tilespmem:s8], [sflag:$0x5] =	stream.linear.gather [hbm4b:s15+s20], $0x1400, $0x38;
	[tilespmem:$0x1E400] =	vst v63  }
0x26: {  	_ =	swait.ge [sflag:s13], $0x1400  }
0x27: {  	[sflag:s13] =	ssyncset.done $0x0  }
0x28: {  	[sflag:s13] =	ssyncadd.s32 $0xFFFFEC00  }
0x29: {  	[tilespmem:s17], [sflag:$0x1] =	stream.indirect.gather [hbm4b:s2+s16], $0x80, s14, s16, $0xb8;
	[tilespmem:$0x1E400] =	vst v63  }
0x2a: {  	s22 =	simm.s32 $0x13C20  }
0x2b: {  	[tilespmem:s19], [sflag:$0x1] =	stream.indirect.gather [hbm4b:s2+s16], $0x80, s22, s16, $0xb8;
	[tilespmem:$0x1E400] =	vst v63  }
0x2c: {  	s15 =	simm.s32 $0x13C40  }
0x2d: {  	[tilespmem:s21], [sflag:$0x2] =	stream.indirect.gather [hbm4b:s2+s16], $0x80, s15, s16, $0xb8;
	[tilespmem:$0x1E400] =	vst v63  }
0x2e: {  	s18 =	simm.s32 $0x13C60  }
0x2f: {  	[tilespmem:s23], [sflag:$0x2] =	stream.indirect.gather [hbm4b:s2+s16], $0x80, s18, s16, $0xb8;
	[tilespmem:$0x1E400] =	vst v63  }
0x30: {  	s20 =	simm.s32 $0x13C80  }
0x31: {  	[tilespmem:s24], [sflag:$0x3] =	stream.indirect.gather [hbm4b:s2+s16], $0x80, s20, s16, $0xb8;
	[tilespmem:$0x1E400] =	vst v63  }
0x32: {  	s22 =	simm.s32 $0x13CA0  }
0x33: {  	[tilespmem:s25], [sflag:$0x3] =	stream.indirect.gather [hbm4b:s2+s16], $0x80, s22, s16, $0xb8;
	[tilespmem:$0x1E400] =	vst v63  }
0x34: {  	s8 =	simm.s32 $0x13CC0  }
0x35: {  	[tilespmem:s26], [sflag:$0x4] =	stream.indirect.gather [hbm4b:s2+s16], $0x80, s8, s16, $0xb8;
	[tilespmem:$0x1E400] =	vst v63  }
0x36: {  	s18 =	simm.s32 $0x13CE0  }
0x37: {  	[tilespmem:s28], [sflag:$0x4] =	stream.indirect.gather [hbm4b:s2+s16], $0x80, s18, s16, $0xb8;
	[tilespmem:$0x1E400] =	vst v63  }
0x38: {  	_ =	swait.ge [sflag:s29], $0x1000  }
0x39: {  	[sflag:s29] =	ssyncset.done $0x0  }
0x3a: {  	[sflag:s29] =	ssyncadd.s32 $0xFFFFF000  }
0x3b: {  	_ =	swait.ge [sflag:s29], $0x1000  }
0x3c: {  	[sflag:s29] =	ssyncset.done $0x0  }
0x3d: {  	[sflag:s29] =	ssyncadd.s32 $0xFFFFF000  }
0x3e: {  	_ =	swait.ge [sflag:s30], $0x1000  }
0x3f: {  	[sflag:s30] =	ssyncset.done $0x0  }
0x40: {  	[sflag:s30] =	ssyncadd.s32 $0xFFFFF000  }
0x41: {  	_ =	swait.ge [sflag:s30], $0x1000  }
0x42: {  	[sflag:s30] =	ssyncset.done $0x0  }
0x43: {  	s20 =	simm.s32 $0x15000;
	[sflag:s30] =	ssyncadd.s32 $0xFFFFF000  }
0x44: {  	[spmem:s3] =	stream.indirect.scatter.add.f32 [tilespmem:s17], [sflag:$0x5], $0x80, s20, s31, $0xb8;
	[tilespmem:$0x1E400] =	vst v63  }
0x45: {  	_ =	swait.ge [sflag:s13], $0x4000  }
0x46: {  	[sflag:s13] =	ssyncset.done $0x0  }
0x47: {  	s22 =	simm.s32 $0x13D00;
	[sflag:s13] =	ssyncadd.s32 $0xFFFFC000  }
0x48: {  	[tilespmem:s17], [sflag:$0x1] =	stream.indirect.gather [hbm4b:s2+s16], $0x80, s22, s16, $0xb8;
	[tilespmem:$0x1E400] =	vst v63  }
0x49: {  	s8 =	simm.s32 $0x13D20  }
0x4a: {  	[tilespmem:s19], [sflag:$0x1] =	stream.indirect.gather [hbm4b:s2+s16], $0x80, s8, s16, $0xb8;
	[tilespmem:$0x1E400] =	vst v63  }
0x4b: {  	s18 =	simm.s32 $0x13D40  }
0x4c: {  	[tilespmem:s21], [sflag:$0x2] =	stream.indirect.gather [hbm4b:s2+s16], $0x80, s18, s16, $0xb8;
	[tilespmem:$0x1E400] =	vst v63  }
0x4d: {  	s20 =	simm.s32 $0x13D60  }
0x4e: {  	[tilespmem:s23], [sflag:$0x2] =	stream.indirect.gather [hbm4b:s2+s16], $0x80, s20, s16, $0xb8;
	[tilespmem:$0x1E400] =	vst v63  }
0x4f: {  	_ =	swait.ge [sflag:s0], $0x1000  }
0x50: {  	[sflag:s0] =	ssyncset.done $0x0  }
0x51: {  	[sflag:s0] =	ssyncadd.s32 $0xFFFFF000  }
0x52: {  	_ =	swait.ge [sflag:s0], $0x1000  }
0x53: {  	[sflag:s0] =	ssyncset.done $0x0  }
0x54: {  	[sflag:s0] =	ssyncadd.s32 $0xFFFFF000  }
0x55: {  	_ =	swait.ge [sflag:s1], $0x1000  }
0x56: {  	[sflag:s1] =	ssyncset.done $0x0  }
0x57: {  	[sflag:s1] =	ssyncadd.s32 $0xFFFFF000  }
0x58: {  	_ =	swait.ge [sflag:s1], $0x1000  }
0x59: {  	[sflag:s1] =	ssyncset.done $0x0  }
0x5a: {  	s22 =	simm.s32 $0x15080;
	[sflag:s1] =	ssyncadd.s32 $0xFFFFF000  }
0x5b: {  	[spmem:s3] =	stream.indirect.scatter.add.f32 [tilespmem:s24], [sflag:$0x5], $0x80, s22, s31, $0xb8;
	[tilespmem:$0x1E400] =	vst v63  }
0x5c: {  	p0 =	por p1, p1;
	_ =	swait.ge [sflag:s13], $0x4000  }
0x5d: {  	s15 =	simm.s32 $0x100;
	s18 =	simm.s32 $0x800;
	[sflag:s13] =	ssyncset.done $0x0  }
.LBB2_3:
0x5e: {  	s8 =	sadd.s32 $0x13C80, s15  }
0x5f: {  	[sflag:s13] =	ssyncadd.s32 $0xFFFFC000;
	s20 =	smov.u32 s18;
	s22 =	sadd.s32 $0x400, s18  }
0x60: {  	[tilespmem:s24], [sflag:$0x3] =	stream.indirect.gather [hbm4b:s2+s16], $0x80, s8, s16, $0xb8;
	[tilespmem:$0x1E400] =	vst v63  }
0x61: {  	p1 =	sne.s32 s18, $0x4800;
	s8 =	sadd.s32 $0x13CA0, s15  }
0x62: {  	[tilespmem:s25], [sflag:$0x3] =	stream.indirect.gather [hbm4b:s2+s16], $0x80, s8, s16, $0xb8;
	[tilespmem:$0x1E400] =	vst v63  }
0x63: {  	s8 =	sadd.s32 $0x13CC0, s15  }
0x64: {  	[tilespmem:s26], [sflag:$0x4] =	stream.indirect.gather [hbm4b:s2+s16], $0x80, s8, s16, $0xb8;
	[tilespmem:$0x1E400] =	vst v63  }
0x65: {  	s8 =	sadd.s32 $0x13CE0, s15  }
0x66: {  	[tilespmem:s28], [sflag:$0x4] =	stream.indirect.gather [hbm4b:s2+s16], $0x80, s8, s16, $0xb8;
	[tilespmem:$0x1E400] =	vst v63  }
0x67: {  	_ =	swait.ge [sflag:s29], $0x1000  }
0x68: {  	[sflag:s29] =	ssyncset.done $0x0  }
0x69: {  	[sflag:s29] =	ssyncadd.s32 $0xFFFFF000  }
0x6a: {  	_ =	swait.ge [sflag:s29], $0x1000  }
0x6b: {  	[sflag:s29] =	ssyncset.done $0x0  }
0x6c: {  	[sflag:s29] =	ssyncadd.s32 $0xFFFFF000  }
0x6d: {  	_ =	swait.ge [sflag:s30], $0x1000  }
0x6e: {  	[sflag:s30] =	ssyncset.done $0x0  }
0x6f: {  	[sflag:s30] =	ssyncadd.s32 $0xFFFFF000  }
0x70: {  	_ =	swait.ge [sflag:s30], $0x1000  }
0x71: {  	[sflag:s30] =	ssyncset.done $0x0  }
0x72: {  	s8 =	sadd.s32 $0x15000, s15;
	[sflag:s30] =	ssyncadd.s32 $0xFFFFF000  }
0x73: {  	[spmem:s3] =	stream.indirect.scatter.add.f32 [tilespmem:s17], [sflag:$0x5], $0x80, s8, s31, $0xb8;
	[tilespmem:$0x1E400] =	vst v63  }
0x74: {  	_ =	swait.ge [sflag:s13], $0x4000  }
0x75: {  	[sflag:s13] =	ssyncset.done $0x0  }
0x76: {  	s8 =	sadd.s32 $0x13D00, s15;
	[sflag:s13] =	ssyncadd.s32 $0xFFFFC000  }
0x77: {  	[tilespmem:s17], [sflag:$0x1] =	stream.indirect.gather [hbm4b:s2+s16], $0x80, s8, s16, $0xb8;
	[tilespmem:$0x1E400] =	vst v63  }
0x78: {  	s8 =	sadd.s32 $0x13D20, s15  }
0x79: {  	[tilespmem:s19], [sflag:$0x1] =	stream.indirect.gather [hbm4b:s2+s16], $0x80, s8, s16, $0xb8;
	[tilespmem:$0x1E400] =	vst v63  }
0x7a: {  	s8 =	sadd.s32 $0x13D40, s15  }
0x7b: {  	[tilespmem:s21], [sflag:$0x2] =	stream.indirect.gather [hbm4b:s2+s16], $0x80, s8, s16, $0xb8;
	[tilespmem:$0x1E400] =	vst v63  }
0x7c: {  	s8 =	sadd.s32 $0x13D60, s15  }
0x7d: {  	[tilespmem:s23], [sflag:$0x2] =	stream.indirect.gather [hbm4b:s2+s16], $0x80, s8, s16, $0xb8;
	[tilespmem:$0x1E400] =	vst v63  }
0x7e: {  	_ =	swait.ge [sflag:s0], $0x1000  }
0x7f: {  	[sflag:s0] =	ssyncset.done $0x0  }
0x80: {  	[sflag:s0] =	ssyncadd.s32 $0xFFFFF000  }
0x81: {  	_ =	swait.ge [sflag:s0], $0x1000  }
0x82: {  	[sflag:s0] =	ssyncset.done $0x0  }
0x83: {  	[sflag:s0] =	ssyncadd.s32 $0xFFFFF000  }
0x84: {  	_ =	swait.ge [sflag:s1], $0x1000  }
0x85: {  	[sflag:s1] =	ssyncset.done $0x0  }
0x86: {  	[sflag:s1] =	ssyncadd.s32 $0xFFFFF000  }
0x87: {  	_ =	swait.ge [sflag:s1], $0x1000  }
.Ltmp0:
0x88: {  	[sflag:s1] =	ssyncset.done $0x0;
	(pc) =	sbr.rel @p1 .LBB2_3-.Ltmp0, $4  }
0x89: {  	s8 =	sadd.s32 $0x15080, s15;
	[sflag:s1] =	ssyncadd.s32 $0xFFFFF000  }
0x8a: {  	[spmem:s3] =	stream.indirect.scatter.add.f32 [tilespmem:s24], [sflag:$0x5], $0x80, s8, s31, $0xb8;
	[tilespmem:$0x1E400] =	vst v63  }
0x8b: {  	_ =	swait.ge [sflag:s13], $0x4000  }
0x8c: {  	s18 =	smov.u32 s22;
	s15 =	sshra.s32 s20, $0x2;
	[sflag:s13] =	ssyncset.done $0x0  }
0x8d: {  	s8 =	sadd.s32 $0x13C80, s15;
	[sflag:s13] =	ssyncadd.s32 $0xFFFFC000  }
0x8e: {  	[tilespmem:s24], [sflag:$0x3] =	stream.indirect.gather [hbm4b:s2+s16], $0x80, s8, s16, $0xb8;
	[tilespmem:$0x1E400] =	vst v63  }
0x8f: {  	s22 =	sadd.s32 $0x13CA0, s15  }
0x90: {  	[tilespmem:s25], [sflag:$0x3] =	stream.indirect.gather [hbm4b:s2+s16], $0x80, s22, s16, $0xb8;
	[tilespmem:$0x1E400] =	vst v63  }
0x91: {  	s18 =	sadd.s32 $0x13CC0, s15  }
0x92: {  	[tilespmem:s26], [sflag:$0x4] =	stream.indirect.gather [hbm4b:s2+s16], $0x80, s18, s16, $0xb8;
	[tilespmem:$0x1E400] =	vst v63  }
0x93: {  	s20 =	sadd.s32 $0x13CE0, s15  }
0x94: {  	[tilespmem:s28], [sflag:$0x4] =	stream.indirect.gather [hbm4b:s2+s16], $0x80, s20, s16, $0xb8;
	[tilespmem:$0x1E400] =	vst v63  }
0x95: {  	_ =	swait.ge [sflag:s29], $0x1000  }
0x96: {  	[sflag:s29] =	ssyncset.done $0x0  }
0x97: {  	[sflag:s29] =	ssyncadd.s32 $0xFFFFF000  }
0x98: {  	_ =	swait.ge [sflag:s29], $0x1000  }
0x99: {  	[sflag:s29] =	ssyncset.done $0x0  }
0x9a: {  	[sflag:s29] =	ssyncadd.s32 $0xFFFFF000  }
0x9b: {  	_ =	swait.ge [sflag:s30], $0x1000  }
0x9c: {  	[sflag:s30] =	ssyncset.done $0x0  }
0x9d: {  	[sflag:s30] =	ssyncadd.s32 $0xFFFFF000  }
0x9e: {  	_ =	swait.ge [sflag:s30], $0x1000  }
0x9f: {  	[sflag:s30] =	ssyncset.done $0x0  }
0xa0: {  	s22 =	sadd.s32 $0x15000, s15;
	[sflag:s30] =	ssyncadd.s32 $0xFFFFF000  }
0xa1: {  	[spmem:s3] =	stream.indirect.scatter.add.f32 [tilespmem:s17], [sflag:$0x5], $0x80, s22, s31, $0xb8;
	[tilespmem:$0x1E400] =	vst v63  }
0xa2: {  	_ =	swait.ge [sflag:s13], $0x4000  }
0xa3: {  	[sflag:s13] =	ssyncset.done $0x0  }
0xa4: {  	s18 =	sadd.s32 $0x13D00, s15;
	[sflag:s13] =	ssyncadd.s32 $0xFFFFC000  }
0xa5: {  	[tilespmem:s17], [sflag:$0x1] =	stream.indirect.gather [hbm4b:s2+s16], $0x80, s18, s16, $0xb8;
	[tilespmem:$0x1E400] =	vst v63  }
0xa6: {  	s20 =	sadd.s32 $0x13D20, s15  }
0xa7: {  	[tilespmem:s19], [sflag:$0x1] =	stream.indirect.gather [hbm4b:s2+s16], $0x80, s20, s16, $0xb8;
	[tilespmem:$0x1E400] =	vst v63  }
0xa8: {  	s22 =	sadd.s32 $0x13D40, s15  }
0xa9: {  	[tilespmem:s21], [sflag:$0x2] =	stream.indirect.gather [hbm4b:s2+s16], $0x80, s22, s16, $0xb8;
	[tilespmem:$0x1E400] =	vst v63  }
0xaa: {  	s18 =	sadd.s32 $0x13D60, s15  }
0xab: {  	[tilespmem:s23], [sflag:$0x2] =	stream.indirect.gather [hbm4b:s2+s16], $0x80, s18, s16, $0xb8;
	[tilespmem:$0x1E400] =	vst v63  }
0xac: {  	_ =	swait.ge [sflag:s0], $0x1000  }
0xad: {  	[sflag:s0] =	ssyncset.done $0x0  }
0xae: {  	[sflag:s0] =	ssyncadd.s32 $0xFFFFF000  }
0xaf: {  	_ =	swait.ge [sflag:s0], $0x1000  }
0xb0: {  	[sflag:s0] =	ssyncset.done $0x0  }
0xb1: {  	[sflag:s0] =	ssyncadd.s32 $0xFFFFF000  }
0xb2: {  	_ =	swait.ge [sflag:s1], $0x1000  }
0xb3: {  	[sflag:s1] =	ssyncset.done $0x0  }
0xb4: {  	[sflag:s1] =	ssyncadd.s32 $0xFFFFF000  }
0xb5: {  	_ =	swait.ge [sflag:s1], $0x1000  }
0xb6: {  	[sflag:s1] =	ssyncset.done $0x0  }
0xb7: {  	s20 =	sadd.s32 $0x15080, s15;
	[sflag:s1] =	ssyncadd.s32 $0xFFFFF000  }
0xb8: {  	[spmem:s3] =	stream.indirect.scatter.add.f32 [tilespmem:s24], [sflag:$0x5], $0x80, s20, s31, $0xb8;
	[tilespmem:$0x1E400] =	vst v63  }
0xb9: {  	_ =	swait.ge [sflag:s13], $0x4000  }
0xba: {  	[sflag:s13] =	ssyncset.done $0x0  }
0xbb: {  	s22 =	simm.s32 $0x14F80;
	[sflag:s13] =	ssyncadd.s32 $0xFFFFC000  }
0xbc: {  	[tilespmem:s24], [sflag:$0x3] =	stream.indirect.gather [hbm4b:s2+s16], $0x80, s22, s16, $0xb8;
	[tilespmem:$0x1E400] =	vst v63  }
0xbd: {  	_ = 	snop  }
0xbe: {  	[tilespmem:s25], [sflag:$0x3] =	stream.indirect.gather [hbm4b:s2+s16], $0x80, s10, s16, $0xb8;
	[tilespmem:$0x1E400] =	vst v63  }
0xbf: {  	_ = 	snop  }
0xc0: {  	[tilespmem:s26], [sflag:$0x4] =	stream.indirect.gather [hbm4b:s2+s16], $0x80, s11, s16, $0xb8;
	[tilespmem:$0x1E400] =	vst v63  }
0xc1: {  	_ = 	snop  }
0xc2: {  	[tilespmem:s28], [sflag:$0x4] =	stream.indirect.gather [hbm4b:s2+s16], $0x80, s9, s16, $0xb8;
	[tilespmem:$0x1E400] =	vst v63  }
0xc3: {  	_ =	swait.ge [sflag:s29], $0x1000  }
0xc4: {  	[sflag:s29] =	ssyncset.done $0x0  }
0xc5: {  	[sflag:s29] =	ssyncadd.s32 $0xFFFFF000  }
0xc6: {  	_ =	swait.ge [sflag:s29], $0x1000  }
0xc7: {  	[sflag:s29] =	ssyncset.done $0x0  }
0xc8: {  	[sflag:s29] =	ssyncadd.s32 $0xFFFFF000  }
0xc9: {  	_ =	swait.ge [sflag:s30], $0x1000  }
0xca: {  	[sflag:s30] =	ssyncset.done $0x0  }
0xcb: {  	[sflag:s30] =	ssyncadd.s32 $0xFFFFF000  }
0xcc: {  	_ =	swait.ge [sflag:s30], $0x1000  }
0xcd: {  	[sflag:s30] =	ssyncset.done $0x0  }
0xce: {  	[sflag:s30] =	ssyncadd.s32 $0xFFFFF000  }
0xcf: {  	[spmem:s3] =	stream.indirect.scatter.add.f32 [tilespmem:s17], [sflag:$0x5], $0x80, s12, s31, $0xb8;
	[tilespmem:$0x1E400] =	vst v63  }
0xd0: {  	_ =	swait.ge [sflag:s13], $0x4000  }
0xd1: {  	[sflag:s13] =	ssyncset.done $0x0  }
0xd2: {  	[sflag:s13] =	ssyncadd.s32 $0xFFFFC000  }
0xd3: {  	_ =	swait.ge [sflag:s0], $0x1000  }
0xd4: {  	[sflag:s0] =	ssyncset.done $0x0  }
0xd5: {  	[sflag:s0] =	ssyncadd.s32 $0xFFFFF000  }
0xd6: {  	_ =	swait.ge [sflag:s0], $0x1000  }
0xd7: {  	[sflag:s0] =	ssyncset.done $0x0  }
0xd8: {  	[sflag:s0] =	ssyncadd.s32 $0xFFFFF000  }
0xd9: {  	_ =	swait.ge [sflag:s1], $0x1000  }
0xda: {  	[sflag:s1] =	ssyncset.done $0x0  }
0xdb: {  	[sflag:s1] =	ssyncadd.s32 $0xFFFFF000  }
0xdc: {  	_ =	swait.ge [sflag:s1], $0x1000  }
0xdd: {  	[sflag:s1] =	ssyncset.done $0x0  }
.Ltmp1:
0xde: {  	[sflag:s1] =	ssyncadd.s32 $0xFFFFF000;
	(pc) =	sbr.rel @p0 .LBB2_2-.Ltmp1, $4  }
0xdf: {  	[spmem:s3] =	stream.indirect.scatter.add.f32 [tilespmem:s24], [sflag:$0x5], $0x80, s4, s31, $0xb8;
	[tilespmem:$0x1E400] =	vst v63  }
0xe0: {  	_ =	swait.ge [sflag:s13], $0x4000  }
0xe1: {  	[sflag:s13] =	ssyncset.done $0x0  }
0xe2: {  	p1 =	por $0x0, $0x0;
	s15 =	simm.s32 $0x28;
	[sflag:s13] =	ssyncadd.s32 $0xFFFFC000  }
0xe3: {  	[bflag:$0x0] =	sbarrier.arrive $0xFFFF  }
0xe4: {  	s18 =	rddreg [dreg:$0x6]  }
0xe5: {  	s8 =	rddreg [dreg:$0x7]  }
0xe6: {  	s20 =	rddreg [dreg:$0x9]  }
0xe7: {  	[hbm:s8], [sflag:s18] =	dma.local [spmem:s20], $0x2780  }
0xe8: {  	_ =	swait.ge [sflag:s13], $0x2780  }
0xe9: {  	s15 =	rddreg [dreg:$0x4]  }
0xea: {  	s22 =	rddreg [dreg:$0x8];
	s15 =	sadd.s32 $0x1, s15  }
0xeb: {  	p0 =	sne.s32 s15, s22  }
.Ltmp2:
0xec: {  	_ = 	snop;
	(pc) =	sbr.rel @p0 .LBB2_1-.Ltmp2, $3  }
0xed: {  	_ =	sdelay $0x1  }
0xee: {  	[sflag:s13] =	ssyncset.done $0x0  }
0xef: {  	[sflag:s13] =	ssyncadd.s32 $0xFFFFD880  }
0xf0: {  	_ =	sfence.sel $0x180000  }
0xf1: {  	[bflag:$0x0] =	sbarrier.arrive $0xFFFF  }
0xf2: {  	_ =	strace $0x9000004A  }
0xf3: {  	s0 =	stileid.u32;
	[bflag:$0x2] =	sbarrier.arrive $0xFFFF  }
0xf4: {  	p0 =	sne.s32 s0, $0x0;
	s0 =	rddreg [dreg:$0x3]  }
0xf5: {  	s0 =	sadd.s32 @!p0 $0x100000, s0  }
0xf6: {  	[sflag:s0] =	ssyncadd.tile.s32 @!p0 $0x1;
	_ =	shalt  }
.Lfunc_end2:
_tile_overlayer_lowered:
.L_overlay_start_2:
0xf7: {  	(tag) =	ssettag $0x2  }
0xf8: {  	s0 =	rddreg [dreg:$0x0];
	s2 =	stileid.u32  }
0xf9: {  	s1 =	rddreg [dreg:$0x1];
	p0 =	sne.s32 s2, $0x0  }
0xfa: {  	s3 =	rddreg [dreg:$0x2];
	[bflag:$0x3] =	sbarrier.arrive $0xFFFF;
	s2 =	simm.s32 @!p0 $0x1C05  }
0xfb: {  	[timem:s3], [sflag:s2] =	dma.local @!p0 [hbm:s0], s1  }
0xfc: {  	s0 =	simm.s32 @!p0 $0x5  }
0xfd: {  	_ =	swait.ge @!p0 [sflag:s0], s1  }
0xfe: {  	s1 =	ssub.s32 @!p0 $0x0, s1;
	[sflag:s0] =	ssyncset.done @!p0 $0x0  }
0xff: {  	[sflag:s0] =	ssyncadd.s32 @!p0 s1  }
0x100: {  	[bflag:$0x3] =	sbarrier.arrive $0xFFFF  }
0x101: {  	_ =	shalt  }

// kernel: kernel.7.cloned.1.call-start
scs
__scs_entry_jumppad:
0x0: {  	(pc) =	sbr.rel $0x88, $3  }
0x1: {  	(tag) =	ssettag $0x0;
	lr =	simm.s32 $0x1  }
0x2: {  	[smem:$0x3F97] =	sst lr;
	_ =	strace $0xD0000000  }
0x3: {  	_ = 	snop  }
0x4: {  	_ = 	snop  }
0x5: {  	_ = 	snop  }
0x6: {  	_ = 	snop  }
0x7: {  	_ = 	snop  }
__scs_overlays_trampoline_lowered:
0x8: {  	[smem:$0x3FA6] =	sst s0  }
0x9: {  	[smem:$0x3FA7] =	sst s1  }
0xa: {  	[smem:$0x3FA8] =	sst s2  }
0xb: {  	[smem:$0x3FA9] =	sst s3  }
0xc: {  	[smem:$0x3FAA] =	sst s4  }
0xd: {  	[smem:$0x3FAB] =	sst s5  }
0xe: {  	[smem:$0x3FAC] =	sst s6  }
0xf: {  	[smem:$0x3FAD] =	sst s7  }
0x10: {  	[smem:$0x3FAE] =	sst s8  }
0x11: {  	[smem:$0x3FAF] =	sst s9;
	s0 =	simm.s32 @!p0 $0x0  }
0x12: {  	s1 =	sld [smem:$0x3F95];
	s0 =	simm.s32 @p0 $0x1  }
0x13: {  	[smem:$0x3FB0] =	sst s0;
	s0 =	simm.s32 @!p1 $0x0  }
0x14: {  	s2 =	sld [smem:$0x3F94];
	s0 =	simm.s32 @p1 $0x1  }
0x15: {  	[smem:$0x3FB1] =	sst s0;
	s0 =	simm.s32 @!p2 $0x0  }
0x16: {  	s3 =	sld [smem:$0x3FDB];
	s0 =	simm.s32 @p2 $0x1  }
0x17: {  	s4 =	simm.s32 $0x1BF5;
	[smem:$0x3FB3] =	sst s0  }
0x18: {  	s0 =	sld [smem:$0x3F96];
	_ =	swait.ge [sflag:s4], $0x0  }
0x19: {  	s7 =	sld [smem:$0x3F97]  }
0x1a: {  	s8 =	sadd.s32 $0xFFFFE003, lr  }
0x1b: {  	s9 =	sadd.s32 $0xFFFFFEF7, lr;
	s5 =	simm.s32 $0xFFFFFFFF;
	p2 =	slt.u32 s8, $0xFFFFF086  }
0x1c: {  	p1 =	slt.u32 s9, $0xF7A;
	s5 =	simm.s32 @!p2 $0x0  }
0x1d: {  	s5 =	simm.s32 @p1 $0x1;
	p0 =	seq.s32 s7, s2  }
0x1e: {  	s7 =	smul.u32 @!p0 $0xF7A, s2;
	p2 =	seq.s32 @!p0 s5, $0x0  }
0x1f: {  	s9 =	smul.u32 $0xF7A, s1;
	s8 =	simm.s32 @!p0 $0x1BF5;
	p2 =	por !p2, p0  }
0x20: {  	[sflag:s8] =	ssyncset.s32 @!p0 $0xFFFFF086;
	s6 =	sadd.s32 @!p0 s3, s7;
	s7 =	simm.s32 @!p0 $0x108  }
0x21: {  	s3 =	sadd.s32 s3, s9;
	s6 =	sadd.s32 @!p0 $0x88, s6;
	s7 =	simm.s32 @p2 $0x1082  }
0x22: {  	[simem:s7], [sflag:s8] =	dma.local @!p0 [hbm:s6], $0xF7A  }
0x23: {  	s9 =	sor.u32 $0xD0000000, s2;
	s6 =	simm.s32 $0x108;
	_ =	swait.ge @!p0 [sflag:s8], $0x0  }
0x24: {  	s3 =	sadd.s32 $0x88, s3;
	s6 =	simm.s32 @!p1 $0x1082;
	[sflag:s4] =	ssyncset.s32 $0xFFFFF086  }
0x25: {  	[simem:s6], [sflag:s4] =	dma.local [hbm:s3], $0xF7A  }
0x26: {  	[smem:$0x3F97] =	sst s1;
	(tag) =	ssettag s2;
	_ =	strace s9  }
0x27: {  	s1 =	sld [smem:$0x3FA7]  }
0x28: {  	s2 =	sld [smem:$0x3FA8]  }
0x29: {  	s4 =	sld [smem:$0x3FAA]  }
0x2a: {  	p0 =	seq.s32 s5, $0x0;
	s5 =	sld [smem:$0x3FAB]  }
0x2b: {  	s6 =	sld [smem:$0x3FAC]  }
0x2c: {  	s7 =	sld [smem:$0x3FAD]  }
0x2d: {  	s3 =	simm.s32 $0x108;
	s8 =	sld [smem:$0x3FAE]  }
0x2e: {  	s3 =	simm.s32 @!p0 $0x1082;
	s9 =	sld [smem:$0x3FAF]  }
0x2f: {  	lr =	sadd.s32 s0, s3;
	s0 =	sld [smem:$0x3FA6]  }
0x30: {  	s3 =	sld [smem:$0x3FA9]  }
0x31: {  	[smem:$0x3FB2] =	sst s10  }
0x32: {  	s10 =	sld [smem:$0x3FB0];
	_ =	sdelay $0x3  }
0x33: {  	p0 =	seq.s32 s10, $0x1;
	s10 =	sld [smem:$0x3FB2];
	_ =	sdelay $0x3  }
0x34: {  	[smem:$0x3FB2] =	sst s10  }
0x35: {  	s10 =	sld [smem:$0x3FB1];
	_ =	sdelay $0x3  }
0x36: {  	p1 =	seq.s32 s10, $0x1;
	s10 =	sld [smem:$0x3FB2];
	_ =	sdelay $0x3  }
0x37: {  	[smem:$0x3FB2] =	sst s10  }
0x38: {  	s10 =	sld [smem:$0x3FB3]  }
0x39: {  	_ = 	snop;
	(pc) =	sbr.ind lr, $3  }
0x3a: {  	_ = 	snop  }
0x3b: {  	_ = 	snop  }
0x3c: {  	p2 =	seq.s32 s10, $0x1;
	s10 =	sld [smem:$0x3FB2]  }
0x3d: {  	_ =	shalt  }
0x3e: {  	_ =	shalt  }
0x3f: {  	_ =	shalt  }
0x40: {  	_ =	shalt  }
0x41: {  	_ =	shalt  }
0x42: {  	_ =	shalt  }
0x43: {  	_ =	shalt  }
0x44: {  	_ =	shalt  }
0x45: {  	_ =	shalt  }
0x46: {  	_ =	shalt  }
0x47: {  	_ =	shalt  }
0x48: {  	_ =	shalt  }
0x49: {  	_ =	shalt  }
0x4a: {  	_ =	shalt  }
0x4b: {  	_ =	shalt  }
0x4c: {  	_ =	shalt  }
0x4d: {  	_ =	shalt  }
0x4e: {  	_ =	shalt  }
0x4f: {  	_ =	shalt  }
0x50: {  	_ =	shalt  }
0x51: {  	_ =	shalt  }
0x52: {  	_ =	shalt  }
0x53: {  	_ =	shalt  }
0x54: {  	_ =	shalt  }
0x55: {  	_ =	shalt  }
0x56: {  	_ =	shalt  }
0x57: {  	_ =	shalt  }
0x58: {  	_ =	shalt  }
0x59: {  	_ =	shalt  }
0x5a: {  	_ =	shalt  }
0x5b: {  	_ =	shalt  }
0x5c: {  	_ =	shalt  }
0x5d: {  	_ =	shalt  }
0x5e: {  	_ =	shalt  }
0x5f: {  	_ =	shalt  }
0x60: {  	_ =	shalt  }
0x61: {  	_ =	shalt  }
0x62: {  	_ =	shalt  }
0x63: {  	_ =	shalt  }
0x64: {  	_ =	shalt  }
0x65: {  	_ =	shalt  }
0x66: {  	_ =	shalt  }
0x67: {  	_ =	shalt  }
0x68: {  	_ =	shalt  }
0x69: {  	_ =	shalt  }
0x6a: {  	_ =	shalt  }
0x6b: {  	_ =	shalt  }
0x6c: {  	_ =	shalt  }
0x6d: {  	_ =	shalt  }
0x6e: {  	_ =	shalt  }
0x6f: {  	_ =	shalt  }
0x70: {  	_ =	shalt  }
0x71: {  	_ =	shalt  }
0x72: {  	_ =	shalt  }
0x73: {  	_ =	shalt  }
0x74: {  	_ =	shalt  }
0x75: {  	_ =	shalt  }
0x76: {  	_ =	shalt  }
0x77: {  	_ =	shalt  }
0x78: {  	_ =	shalt  }
0x79: {  	_ =	shalt  }
0x7a: {  	_ =	shalt  }
0x7b: {  	_ =	shalt  }
0x7c: {  	_ =	shalt  }
0x7d: {  	_ =	shalt  }
0x7e: {  	_ =	shalt  }
0x7f: {  	_ =	shalt  }
0x80: {  	_ =	shalt  }
0x81: {  	_ =	shalt  }
0x82: {  	_ =	shalt  }
0x83: {  	_ =	shalt  }
0x84: {  	_ =	shalt  }
0x85: {  	_ =	shalt  }
0x86: {  	_ =	shalt  }
0x87: {  	_ =	shalt  }
.Lfunc_end0:
.L_simem_size_0:
called_computation_lowered:
.L_overlay_start_0:
0x88: {  	s2 =	sld [smem:$0x3FD9]  }
0x89: {  	s3 =	sld [smem:$0x3FFE];
	_ =	sdelay $0x1  }
0x8a: {  	s1 =	srdreg.scid  }
0x8b: {  	s0 =	sand.u32 $0x1, s1  }
0x8c: {  	s17 =	sshll.u32 s0, $0xA;
	s2 =	sadd.s32 s3, s2  }
0x8d: {  	s2 =	sadd.s32 s2, s17  }
0x8e: {  	[smem:$0x3FBE] =	sst s2  }
0x8f: {  	_ = 	snop  }
0x90: {  	s2 =	sld [smem:$0x3FD0];
	(tm) =	ssettm $0x1  }
0x91: {  	s18 =	sld [smem:$0x3FFB];
	_ =	sdelay $0x3  }
0x92: {  	_ =	strace s18  }
0x93: {  	s3 =	sld [smem:$0x3FFC];
	_ =	sdelay $0x3  }
0x94: {  	_ =	strace s3  }
0x95: {  	s3 =	sld [smem:$0x3FFD];
	_ =	sdelay $0x3  }
0x96: {  	_ =	strace s3  }
0x97: {  	_ =	strace $0x8FFFFFFF  }
0x98: {  	s19 =	sld [smem:$0x3FDB];
	_ =	sdelay $0x1  }
0x99: {  	s4 =	simm.s32 $_scs_section_size  }
0x9a: {  	s5 =	simm.s32 $_size__tile_overlayer_lowered;
	s6 =	simm.s32 $_tile_overlayer_lowered  }
0x9b: {  	s22 =	simm.s32 $0x1BFF;
	s21 =	sshll.u32 s6, $0x1;
	s3 =	sadd.s32 s4, s19  }
0x9c: {  	s7 =	simm.s32 $0x0;
	s20 =	sshll.u32 s5, $0x1;
	s5 =	sadd.s32 s21, s3  }
0x9d: {  	[timem:s7], [sflag:s22] =	dma.local [hbm:s5], s20  }
0x9e: {  	_ =	swait.ge [sflag:s22], s20  }
0x9f: {  	s4 =	ssub.s32 $0x0, s20;
	[sflag:s22] =	ssyncset.done $0x0  }
0xa0: {  	[sflag:s22] =	ssyncadd.s32 s4;
	_ =	sdelay $0x1  }
0xa1: {  	s23 =	simm.s32 $0x1B8B  }
0xa2: {  	_ =	swait.ge [sflag:s23], $0x1  }
0xa3: {  	[sflag:s23] =	ssyncset.done $0x0  }
0xa4: {  	s25 =	simm.s32 $0x1B8E;
	s24 =	sld [smem:$0x3FFE];
	[sflag:s23] =	ssyncadd.s32 $0xFFFFFFFF  }
0xa5: {  	s26 =	simm.s32 $execute0_lowered;
	[smem:$0x3FD2] =	sst s25  }
0xa6: {  	s5 =	sshll.u32 s26, $0x1;
	_ =	strace $0x80000046;
	[dreg:$0x1] =	wrdreg $0xFFFFFFFF  }
0xa7: {  	s28 =	simm.s32 $_size_execute0_lowered;
	s3 =	sadd.s32 s3, s5;
	[dreg:$0x0] =	wrdreg $0x0  }
0xa8: {  	s5 =	sshll.u32 s28, $0x1;
	[dreg:$0x2] =	wrdreg s3  }
0xa9: {  	[dreg:$0x3] =	wrdreg s5  }
0xaa: {  	[dreg:$0x4] =	wrdreg $0xC0  }
0xab: {  	_ =	task [dreg:s7], $0x5FFFF  }
0xac: {  	[dreg:$0x1] =	wrdreg $0xFFFFFFFF  }
0xad: {  	[dreg:$0x0] =	wrdreg $0x60  }
0xae: {  	[dreg:$0x2] =	wrdreg s24  }
0xaf: {  	[dreg:$0x3] =	wrdreg s2  }
0xb0: {  	[dreg:$0x4] =	wrdreg $0x0  }
0xb1: {  	[dreg:$0x5] =	wrdreg $0x9  }
0xb2: {  	_ =	task.clear_ibuf [dreg:s7], $0x6FFFF;
	_ =	strace $0x90000046  }
0xb3: {  	s29 =	simm.s32 $0x9;
	_ =	strace $0x80000048  }
0xb4: {  	_ =	swait.ge [sflag:s29], $0x1  }
0xb5: {  	[sflag:s29] =	ssyncadd.s32 $0xFFFFFFFF  }
0xb6: {  	_ =	strace $0x90000048  }
0xb7: {  	_ =	sfence  }
0xb8: {  	s30 =	sld [smem:$0x0];
	_ =	sdelay $0x2  }
0xb9: {  	s31 =	sshll.u32 s1, $0xD;
	s1 =	sshrl.u32 s1, $0x2  }
0xba: {  	s3 =	sand.u32 $0x4000, s31;
	s1 =	sadd.s32 s1, s30  }
0xbb: {  	s0 =	sor.u32 s3, s0;
	s1 =	sshll.u32 s1, $0x11  }
0xbc: {  	s0 =	sor.u32 s1, s0  }
0xbd: {  	s0 =	sadd.s32 $0x8F2B, s0  }
0xbe: {  	[sflag:s0] =	ssyncadd.remote.s32 $0x1  }
0xbf: {  	_ =	sfence.sel $0xFFFF  }
0xc0: {  	[dreg:$0x0] =	wrdreg $0xFFFFFFFF;
	(pc) =	sbr.abs _section_cstart, $3  }
0xc1: {  	[dreg:$0x1] =	wrdreg $0xFFFFFFFF  }
0xc2: {  	_ =	task.clear_ibuf [dreg:s7], $0x2FFFF;
	_ =	strace $0x9FFFFFFF  }
0xc3: {  	(tm) =	ssettm $0x7FFFFFFF  }
tec
execute0_lowered:
.L_overlay_start_1:
0x0: {  	(tag) =	ssettag $0x1  }
0x1: {  	s5 =	rddreg [dreg:$0x0]  }
0x2: {  	s6 =	rddreg [dreg:$0x1]  }
0x3: {  	s0 =	srdreg.scid;
	s2 =	rddreg [dreg:$0x2]  }
0x4: {  	s3 =	simm.s32 $0x0;
	s10 =	simm.s32 $0x278;
	s11 =	simm.s32 $0x80  }
0x5: {  	s12 =	simm.s32 $0x2A78;
	s4 =	sand.u32 $0x1, s0;
	s0 =	stileid.u32  }
0x6: {  	s13 =	simm.s32 $0x0;
	s1 =	sshll.u32 s4, $0x4;
	s8 =	smul.u32 $0x278, s0  }
0x7: {  	s9 =	smul.u32 $0x2780, s4;
	s4 =	ssub.s32 $0x2, s4;
	s1 =	sor.u32 s0, s1  }
0x8: {  	[smem:$0x7FF] =	sst s3;
	s30 =	sshrl.u32 s4, $0x1;
	s7 =	smul.u32 $0x500, s1  }
0x9: {  	s1 =	rddreg [dreg:$0x3];
	_ =	strace $0x80000047;
	s9 =	sadd.s32 s8, s9  }
0xa: {  	s31 =	sshrl.u32 s9, $0x3;
	s9 =	simm.s32 $0x1;
	s5 =	sadd.s32 s7, s5  }
0xb: {  	s7 =	ssub.s32 s4, s30;
	s4 =	sadd.s32 s8, s2;
	s6 =	sadd.s32 s6, s31  }
0xc: {  	v0 =	vimm.f32 $1.000000000e+00;
	v1 =	vimm.f32 $0.0e+00;
	s8 =	simm.s32 $0x2AF8;
	s5 =	sadd.s32 $0x2800, s5;
	s7 =	smax.u32 s7, $0x1  }
.LBB2_1:
0xd: {  	[tilespmem:$0x2A78] =	vst v0  }
0xe: {  	[tilespmem:$0x2A88] =	vst v0  }
0xf: {  	[tilespmem:$0x2A98] =	vst v0  }
0x10: {  	[tilespmem:$0x2AA8] =	vst v0  }
0x11: {  	[tilespmem:$0x2AB8] =	vst v0  }
0x12: {  	[tilespmem:$0x2AC8] =	vst v0  }
0x13: {  	[tilespmem:$0x2AD8] =	vst v0  }
0x14: {  	[tilespmem:$0x2AE8] =	vst v0  }
0x15: {  	[tilespmem:$0x2AF8] =	vst v1  }
0x16: {  	[tilespmem:$0x2B08] =	vst v1  }
0x17: {  	[tilespmem:$0x2B18] =	vst v1  }
0x18: {  	[tilespmem:$0x2B28] =	vst v1  }
0x19: {  	[tilespmem:$0x2B38] =	vst v1  }
0x1a: {  	[tilespmem:$0x2B48] =	vst v1  }
0x1b: {  	[tilespmem:$0x2B58] =	vst v1  }
0x1c: {  	[tilespmem:$0x2B68] =	vst v1  }
0x1d: {  	[tilespmem:$0x2B78] =	vst v1  }
0x1e: {  	[tilespmem:$0x2B88] =	vst v1  }
0x1f: {  	[tilespmem:$0x2B98] =	vst v1  }
0x20: {  	[tilespmem:$0x2BA8] =	vst v1  }
0x21: {  	[tilespmem:$0x2BB8] =	vst v1  }
0x22: {  	[tilespmem:$0x2BC8] =	vst v1  }
0x23: {  	[tilespmem:$0x2BD8] =	vst v1  }
0x24: {  	[tilespmem:$0x2BE8] =	vst v1  }
0x25: {  	[tilespmem:$0x2BF8] =	vst v1  }
0x26: {  	[tilespmem:$0x2C08] =	vst v1  }
0x27: {  	[tilespmem:$0x2C18] =	vst v1  }
0x28: {  	[tilespmem:$0x2C28] =	vst v1  }
0x29: {  	[tilespmem:$0x2C38] =	vst v1  }
0x2a: {  	[tilespmem:$0x2C48] =	vst v1  }
0x2b: {  	[tilespmem:$0x2C58] =	vst v1  }
0x2c: {  	[tilespmem:$0x2C68] =	vst v1  }
0x2d: {  	[tilespmem:$0x2C78] =	vst v1  }
0x2e: {  	[tilespmem:$0x2C88] =	vst v1  }
0x2f: {  	[tilespmem:$0x2C98] =	vst v1  }
0x30: {  	[tilespmem:$0x2CA8] =	vst v1  }
0x31: {  	[tilespmem:$0x2CB8] =	vst v1  }
0x32: {  	[tilespmem:$0x2CC8] =	vst v1  }
0x33: {  	[tilespmem:$0x2CD8] =	vst v1  }
0x34: {  	[tilespmem:$0x2CE8] =	vst v1  }
0x35: {  	[tilespmem:$0x2CF8] =	vst v1  }
0x36: {  	[tilespmem:$0x2D08] =	vst v1  }
0x37: {  	[tilespmem:$0x2D18] =	vst v1  }
0x38: {  	[tilespmem:$0x2D28] =	vst v1  }
0x39: {  	[tilespmem:$0x2D38] =	vst v1  }
0x3a: {  	[tilespmem:$0x2D48] =	vst v1  }
0x3b: {  	[tilespmem:$0x2D58] =	vst v1  }
0x3c: {  	[tilespmem:$0x2D68] =	vst v1  }
0x3d: {  	[spmem:s4] =	stream.linear.scatter [tilespmem:s8], [sflag:$0x1], $0x278, $0x38;
	[tilespmem:$0x2D78] =	vst v63  }
0x3e: {  	_ =	swait.ge [sflag:s9], $0x278  }
0x3f: {  	[sflag:s9] =	ssyncset.done $0x0  }
0x40: {  	[sflag:s9] =	ssyncadd.s32 $0xFFFFFD88  }
0x41: {  	[tilespmem:s10], [sflag:$0x1] =	stream.linear.gather [hbm4b:s5+s3], $0x2800, $0x38;
	[tilespmem:$0x2D78] =	vst v63  }
0x42: {  	_ =	swait.ge [sflag:s9], $0x2800  }
0x43: {  	[sflag:s9] =	ssyncset.done $0x0  }
0x44: {  	[sflag:s9] =	ssyncadd.s32 $0xFFFFD800  }
0x45: {  	s14 =	simm.s32 $0x278;
	[bflag:$0x0] =	sbarrier.arrive $0xFFFF  }
0x46: {  	[spmem:s2] =	stream.indirect.scatter.add.f32 [tilespmem:s12], [sflag:$0x1], $0x1, s14, s11, $0xb8;
	[tilespmem:$0x2D78] =	vst v63  }
0x47: {  	s14 =	simm.s32 $0x200;
	_ =	swait.ge [sflag:s9], $0x80  }
.LBB2_2:
0x48: {  	s15 =	sshra.s32 s14, $0x2;
	[sflag:s9] =	ssyncset.done $0x0;
	p0 =	sne.s32 s14, $0x9E00  }
.Ltmp0:
0x49: {  	s15 =	sadd.s32 $0x278, s15;
	[sflag:s9] =	ssyncadd.s32 $0xFFFFFF80;
	(pc) =	sbr.rel @p0 .LBB2_2-.Ltmp0, $3  }
0x4a: {  	[spmem:s2] =	stream.indirect.scatter.add.f32 [tilespmem:s12], [sflag:$0x1], $0x1, s15, s11, $0xb8;
	[tilespmem:$0x2D78] =	vst v63  }
0x4b: {  	s14 =	sadd.s32 $0x200, s14;
	_ =	sdelay $0x1  }
0x4c: {  	_ =	swait.ge [sflag:s9], $0x80  }
0x4d: {  	[sflag:s9] =	ssyncset.done $0x0  }
0x4e: {  	[sflag:s9] =	ssyncadd.s32 $0xFFFFFF80  }
0x4f: {  	[bflag:$0x0] =	sbarrier.arrive $0xFFFF  }
0x50: {  	[tilespmem:s8], [sflag:$0x1] =	stream.linear.gather [spmem:s4], $0x278, $0x38;
	[tilespmem:$0x2D78] =	vst v63  }
0x51: {  	s13 =	sadd.s32 $0x1, s13;
	_ =	swait.ge [sflag:s9], $0x278  }
0x52: {  	p0 =	sne.s32 s13, s7;
	[sflag:s9] =	ssyncset.done $0x0  }
.Ltmp1:
0x53: {  	[sflag:s9] =	ssyncadd.s32 $0xFFFFFD88;
	(pc) =	sbr.rel @p0 .LBB2_1-.Ltmp1, $4  }
0x54: {  	[hbm4b:s6+s3] =	stream.linear.scatter [tilespmem:s8], [sflag:$0x1], $0x278, $0x38;
	[tilespmem:$0x2D78] =	vst v63  }
0x55: {  	_ =	swait.ge [sflag:s9], $0x278  }
0x56: {  	[sflag:s9] =	ssyncset.done $0x0  }
0x57: {  	[sflag:s9] =	ssyncadd.s32 $0xFFFFFD88  }
0x58: {  	_ =	sfence.sel $0x180000  }
0x59: {  	[bflag:$0x0] =	sbarrier.arrive $0xFFFF  }
0x5a: {  	p0 =	sne.s32 s0, $0x0;
	_ =	strace $0x90000047  }
0x5b: {  	s0 =	sadd.s32 @!p0 $0x100000, s1;
	[bflag:$0x2] =	sbarrier.arrive $0xFFFF  }
0x5c: {  	[sflag:s0] =	ssyncadd.tile.s32 @!p0 $0x1;
	_ =	shalt  }
.Lfunc_end2:
_tile_overlayer_lowered:
.L_overlay_start_2:
0x5d: {  	(tag) =	ssettag $0x2  }
0x5e: {  	s0 =	rddreg [dreg:$0x0];
	s2 =	stileid.u32  }
0x5f: {  	s1 =	rddreg [dreg:$0x1];
	p0 =	sne.s32 s2, $0x0  }
0x60: {  	s3 =	rddreg [dreg:$0x2];
	[bflag:$0x3] =	sbarrier.arrive $0xFFFF;
	s2 =	simm.s32 @!p0 $0x1C01  }
0x61: {  	[timem:s3], [sflag:s2] =	dma.local @!p0 [hbm:s0], s1  }
0x62: {  	s0 =	simm.s32 @!p0 $0x1  }
0x63: {  	_ =	swait.ge @!p0 [sflag:s0], s1  }
0x64: {  	s1 =	ssub.s32 @!p0 $0x0, s1;
	[sflag:s0] =	ssyncset.done @!p0 $0x0  }
0x65: {  	[sflag:s0] =	ssyncadd.s32 @!p0 s1  }
0x66: {  	[bflag:$0x3] =	sbarrier.arrive $0xFFFF  }
0x67: {  	_ =	shalt  }

</sc_bundles>
